<compile_context>
chip_gen: v7x
topology: tpu7x:2x2x1
jax: 0.10.2.dev20260603
libtpu: 0.0.44.dev20260713+nightly
codegen_flags: <defaults>
</compile_context>

<pallas_src>
import functools
import math

import jax
import jax.numpy as jnp
from jax import lax
from jax.experimental import pallas as pl
from jax.experimental.pallas import tpu as pltpu
from jax.experimental.pallas import tpu_sc as plsc

HID = 64
PADW = 128
SCALE = math.sqrt(HID)

NC = 2
NS = 16
NW = NC * NS
BBLK = 128
NBUF = 6


def _emb_body(seq, idsT_hbm, table_hbm, out_hbm,
              idx_v, g0, g1, g2, g3, g4, g5, isem,
              gs0, gs1, gs2, gs3, gs4, gs5,
              ws0, ws1, ws2, ws3, ws4, ws5):
    wid = lax.axis_index("s") * NC + lax.axis_index("c")
    b0 = wid * BBLK
    gbuf = (g0, g1, g2, g3, g4, g5)
    gsem = (gs0, gs1, gs2, gs3, gs4, gs5)
    wsem = (ws0, ws1, ws2, ws3, ws4, ws5)

    for t in range(seq // 8):
        pltpu.async_copy(idsT_hbm.at[pl.ds(t * 8, 8), pl.ds(b0, BBLK)],
                         idx_v.at[pl.ds(t * 8, 8)], isem)
    for t in range(seq // 8):
        pltpu.make_async_copy(idsT_hbm.at[pl.ds(0, 8), pl.ds(0, BBLK)],
                              idx_v.at[pl.ds(0, 8)], isem).wait()

    def start_gather(s, b):
        pltpu.async_copy(table_hbm.at[idx_v.at[s]], gbuf[b], gsem[b])

    def wait_gather(b):
        pltpu.make_async_copy(table_hbm.at[idx_v.at[0]], gbuf[b], gsem[b]).wait()

    def start_write(s, b):
        pltpu.async_copy(gbuf[b], out_hbm.at[s, pl.ds(b0, BBLK)], wsem[b])

    def wait_write(b):
        pltpu.make_async_copy(gbuf[b], out_hbm.at[0, pl.ds(0, BBLK)],
                              wsem[b]).wait()

    for b in range(NBUF):
        start_gather(b, b)

    for s in (0, 1, 2):
        wait_gather(s)
        start_write(s, s)

    @pl.loop(3, seq - 5, step=NBUF)
    def _(s0_):
        for k in range(NBUF):
            s = s0_ + k
            b = (3 + k) % NBUF
            bprev = k % NBUF
            wait_gather(b)
            start_write(s, b)
            wait_write(bprev)
            start_gather(s + 3, bprev)

    for s in range(seq - 5, seq):
        b = s % NBUF
        wait_gather(b)
        start_write(s, b)
        wait_write((s - 3) % NBUF)
        if s + 3 < seq:
            start_gather(s + 3, (s + 3) % NBUF)
    for s in range(seq - 3, seq):
        wait_write(s % NBUF)


def _make_emb(seq, n_batch):
    assert n_batch == NW * BBLK
    mesh = plsc.VectorSubcoreMesh(core_axis_name="c", subcore_axis_name="s")
    return pl.kernel(
        functools.partial(_emb_body, seq),
        out_type=jax.ShapeDtypeStruct((seq, n_batch, PADW), jnp.float32),
        mesh=mesh,
        scratch_types=[
            pltpu.VMEM((seq, BBLK), jnp.int32),
            pltpu.VMEM((BBLK, PADW), jnp.float32),
            pltpu.VMEM((BBLK, PADW), jnp.float32),
            pltpu.VMEM((BBLK, PADW), jnp.float32),
            pltpu.VMEM((BBLK, PADW), jnp.float32),
            pltpu.VMEM((BBLK, PADW), jnp.float32),
            pltpu.VMEM((BBLK, PADW), jnp.float32),
            pltpu.SemaphoreType.DMA,
            pltpu.SemaphoreType.DMA,
            pltpu.SemaphoreType.DMA,
            pltpu.SemaphoreType.DMA,
            pltpu.SemaphoreType.DMA,
            pltpu.SemaphoreType.DMA,
            pltpu.SemaphoreType.DMA,
            pltpu.SemaphoreType.DMA,
            pltpu.SemaphoreType.DMA,
            pltpu.SemaphoreType.DMA,
            pltpu.SemaphoreType.DMA,
            pltpu.SemaphoreType.DMA,
            pltpu.SemaphoreType.DMA,
        ],
        compiler_params=pltpu.CompilerParams(use_tc_tiling_on_sc=True,
                                             needs_layout_passes=False),
    )


def kernel(input_ids, table):
    n_batch, seq = input_ids.shape
    idsT = input_ids.T.astype(jnp.int32)
    tscaled = jnp.pad(table, ((0, 0), (0, PADW - HID))) * SCALE
    out_wide = _make_emb(seq, n_batch)(idsT, tscaled)
    return out_wide.transpose(1, 0, 2)[:, :, :HID]

# --- scband reference (transcript-rebuilt; emitter-appended) ---
"""Pipeline reference for scband-token-embedding-15247133901135 (READ-ONLY COPY).

The authoritative reference and input builder live on the scoring server;
editing this copy changes nothing except your own understanding.
"""

import jax, jax.numpy as jnp
import numpy as np
import math

VOCAB = 1000000
HID = 64
PAD_IDX = 0

def setup_inputs(seed: int = 0) -> dict:
    key = jax.random.key(seed)
    k1, k2 = jax.random.split(key)
    input_ids = jax.random.randint(k1, (4096, 200), 0, VOCAB, dtype=jnp.int64 if jax.config.jax_enable_x64 else jnp.int32)
    table = jax.random.normal(k2, (VOCAB, HID), dtype=jnp.float32) * 0.02
    table = table.at[PAD_IDX].set(0.0)
    return {"input_ids": input_ids, "table": table}

def reference(input_ids, table):
    embeddings = jnp.take(table, input_ids, axis=0)
    embeddings = embeddings * math.sqrt(HID)
    return embeddings

if __name__ == "__main__":
    import jax
    _d = setup_inputs()
    print(jax.jit(kernel)(*tuple(_d.values())))

</pallas_src>

<mosaic_0001>
#map = affine_map<(d0, d1) -> (0, 0)>
#map1 = affine_map<(d0, d1) -> (0, 0, 0)>
module attributes {stable_mosaic.version = 14 : i64} {
  func.func @_emb_body(%arg0: i32, %arg1: i32, %arg2: memref<200x4096xi32, #tpu.memory_space<hbm>>, %arg3: memref<1000000x128xf32, #tpu.memory_space<hbm>>, %arg4: memref<200x4096x128xf32, #tpu.memory_space<hbm>>, %arg5: memref<200x128xi32, #tpu.memory_space<vmem>>, %arg6: memref<128x128xf32, #tpu.memory_space<vmem>>, %arg7: memref<128x128xf32, #tpu.memory_space<vmem>>, %arg8: memref<128x128xf32, #tpu.memory_space<vmem>>, %arg9: memref<128x128xf32, #tpu.memory_space<vmem>>, %arg10: memref<128x128xf32, #tpu.memory_space<vmem>>, %arg11: memref<128x128xf32, #tpu.memory_space<vmem>>, %arg12: memref<!tpu.dma_semaphore, #tpu.memory_space<semaphore_mem>>, %arg13: memref<!tpu.dma_semaphore, #tpu.memory_space<semaphore_mem>>, %arg14: memref<!tpu.dma_semaphore, #tpu.memory_space<semaphore_mem>>, %arg15: memref<!tpu.dma_semaphore, #tpu.memory_space<semaphore_mem>>, %arg16: memref<!tpu.dma_semaphore, #tpu.memory_space<semaphore_mem>>, %arg17: memref<!tpu.dma_semaphore, #tpu.memory_space<semaphore_mem>>, %arg18: memref<!tpu.dma_semaphore, #tpu.memory_space<semaphore_mem>>, %arg19: memref<!tpu.dma_semaphore, #tpu.memory_space<semaphore_mem>>, %arg20: memref<!tpu.dma_semaphore, #tpu.memory_space<semaphore_mem>>, %arg21: memref<!tpu.dma_semaphore, #tpu.memory_space<semaphore_mem>>, %arg22: memref<!tpu.dma_semaphore, #tpu.memory_space<semaphore_mem>>, %arg23: memref<!tpu.dma_semaphore, #tpu.memory_space<semaphore_mem>>, %arg24: memref<!tpu.dma_semaphore, #tpu.memory_space<semaphore_mem>>) attributes {dimension_semantics = [#tpu.dimension_semantics<core_parallel>, #tpu.dimension_semantics<subcore_parallel>], iteration_bounds = array<i64: 2, 16>, scalar_prefetch = 0 : i64, scratch_operands = 20 : i64, tpu.core_type = #tpu.core_type<sc_vector_subcore>, window_params = [{transform_indices = #map}, {transform_indices = #map}, {transform_indices = #map1}]} {
    %mul3A = arith.constant 2 : i32
    %mul3A_0 = arith.muli %arg1, %mul3A : i32
    %add3A = arith.addi %mul3A_0, %arg0 : i32
    %mul3A_1 = arith.constant 128 : i32
    %mul3A_2 = arith.muli %add3A, %mul3A_1 : i32
    %dma_start3A = arith.constant 0 : i32
    %dma_start3A_3 = arith.constant 0 : i32
    %dma_start3A_4 = tpu.memref_slice %arg5[%dma_start3A, %dma_start3A_3] : memref<200x128xi32, #tpu.memory_space<vmem>> -> memref<8x128xi32, #tpu.memory_space<vmem>>
    %dma_start3A_5 = arith.constant 0 : i32
    %dma_start3A_6 = tpu.memref_slice %arg2[%dma_start3A_5, %mul3A_2] : memref<200x4096xi32, #tpu.memory_space<hbm>> -> memref<8x128xi32, #tpu.memory_space<hbm>>
    %dma_start3A_7 = arith.constant 0 : i32
    %dma_start3A_8 = arith.constant 0 : i32
    %dma_start3A_9 = tpu.memref_slice %arg5[%dma_start3A_7, %dma_start3A_8] : memref<200x128xi32, #tpu.memory_space<vmem>> -> memref<8x128xi32, #tpu.memory_space<vmem>>
    %dma_start3A_10 = arith.constant 0 : i32
    %dma_start3A_11 = tpu.memref_slice %arg2[%dma_start3A_10, %mul3A_2] : memref<200x4096xi32, #tpu.memory_space<hbm>> -> memref<8x128xi32, #tpu.memory_space<hbm>>
    tpu.enqueue_dma source(%dma_start3A_11 : memref<8x128xi32, #tpu.memory_space<hbm>>) target(%dma_start3A_9 : memref<8x128xi32, #tpu.memory_space<vmem>>) target_semaphore(%arg12 : memref<!tpu.dma_semaphore, #tpu.memory_space<semaphore_mem>>)
    %dma_start3A_12 = arith.constant 8 : i32
    %dma_start3A_13 = arith.constant 0 : i32
    %dma_start3A_14 = tpu.memref_slice %arg5[%dma_start3A_12, %dma_start3A_13] : memref<200x128xi32, #tpu.memory_space<vmem>> -> memref<8x128xi32, #tpu.memory_space<vmem>>
    %dma_start3A_15 = arith.constant 8 : i32
    %dma_start3A_16 = tpu.memref_slice %arg2[%dma_start3A_15, %mul3A_2] : memref<200x4096xi32, #tpu.memory_space<hbm>> -> memref<8x128xi32, #tpu.memory_space<hbm>>
    %dma_start3A_17 = arith.constant 8 : i32
    %dma_start3A_18 = arith.constant 0 : i32
    %dma_start3A_19 = tpu.memref_slice %arg5[%dma_start3A_17, %dma_start3A_18] : memref<200x128xi32, #tpu.memory_space<vmem>> -> memref<8x128xi32, #tpu.memory_space<vmem>>
    %dma_start3A_20 = arith.constant 8 : i32
    %dma_start3A_21 = tpu.memref_slice %arg2[%dma_start3A_20, %mul3A_2] : memref<200x4096xi32, #tpu.memory_space<hbm>> -> memref<8x128xi32, #tpu.memory_space<hbm>>
    tpu.enqueue_dma source(%dma_start3A_21 : memref<8x128xi32, #tpu.memory_space<hbm>>) target(%dma_start3A_19 : memref<8x128xi32, #tpu.memory_space<vmem>>) target_semaphore(%arg12 : memref<!tpu.dma_semaphore, #tpu.memory_space<semaphore_mem>>)
    %dma_start3A_22 = arith.constant 16 : i32
    %dma_start3A_23 = arith.constant 0 : i32
    %dma_start3A_24 = tpu.memref_slice %arg5[%dma_start3A_22, %dma_start3A_23] : memref<200x128xi32, #tpu.memory_space<vmem>> -> memref<8x128xi32, #tpu.memory_space<vmem>>
    %dma_start3A_25 = arith.constant 16 : i32
    %dma_start3A_26 = tpu.memref_slice %arg2[%dma_start3A_25, %mul3A_2] : memref<200x4096xi32, #tpu.memory_space<hbm>> -> memref<8x128xi32, #tpu.memory_space<hbm>>
    %dma_start3A_27 = arith.constant 16 : i32
    %dma_start3A_28 = arith.constant 0 : i32
    %dma_start3A_29 = tpu.memref_slice %arg5[%dma_start3A_27, %dma_start3A_28] : memref<200x128xi32, #tpu.memory_space<vmem>> -> memref<8x128xi32, #tpu.memory_space<vmem>>
    %dma_start3A_30 = arith.constant 16 : i32
    %dma_start3A_31 = tpu.memref_slice %arg2[%dma_start3A_30, %mul3A_2] : memref<200x4096xi32, #tpu.memory_space<hbm>> -> memref<8x128xi32, #tpu.memory_space<hbm>>
    tpu.enqueue_dma source(%dma_start3A_31 : memref<8x128xi32, #tpu.memory_space<hbm>>) target(%dma_start3A_29 : memref<8x128xi32, #tpu.memory_space<vmem>>) target_semaphore(%arg12 : memref<!tpu.dma_semaphore, #tpu.memory_space<semaphore_mem>>)
    %dma_start3A_32 = arith.constant 24 : i32
    %dma_start3A_33 = arith.constant 0 : i32
    %dma_start3A_34 = tpu.memref_slice %arg5[%dma_start3A_32, %dma_start3A_33] : memref<200x128xi32, #tpu.memory_space<vmem>> -> memref<8x128xi32, #tpu.memory_space<vmem>>
    %dma_start3A_35 = arith.constant 24 : i32
    %dma_start3A_36 = tpu.memref_slice %arg2[%dma_start3A_35, %mul3A_2] : memref<200x4096xi32, #tpu.memory_space<hbm>> -> memref<8x128xi32, #tpu.memory_space<hbm>>
    %dma_start3A_37 = arith.constant 24 : i32
    %dma_start3A_38 = arith.constant 0 : i32
    %dma_start3A_39 = tpu.memref_slice %arg5[%dma_start3A_37, %dma_start3A_38] : memref<200x128xi32, #tpu.memory_space<vmem>> -> memref<8x128xi32, #tpu.memory_space<vmem>>
    %dma_start3A_40 = arith.constant 24 : i32
    %dma_start3A_41 = tpu.memref_slice %arg2[%dma_start3A_40, %mul3A_2] : memref<200x4096xi32, #tpu.memory_space<hbm>> -> memref<8x128xi32, #tpu.memory_space<hbm>>
    tpu.enqueue_dma source(%dma_start3A_41 : memref<8x128xi32, #tpu.memory_space<hbm>>) target(%dma_start3A_39 : memref<8x128xi32, #tpu.memory_space<vmem>>) target_semaphore(%arg12 : memref<!tpu.dma_semaphore, #tpu.memory_space<semaphore_mem>>)
    %dma_start3A_42 = arith.constant 32 : i32
    %dma_start3A_43 = arith.constant 0 : i32
    %dma_start3A_44 = tpu.memref_slice %arg5[%dma_start3A_42, %dma_start3A_43] : memref<200x128xi32, #tpu.memory_space<vmem>> -> memref<8x128xi32, #tpu.memory_space<vmem>>
    %dma_start3A_45 = arith.constant 32 : i32
    %dma_start3A_46 = tpu.memref_slice %arg2[%dma_start3A_45, %mul3A_2] : memref<200x4096xi32, #tpu.memory_space<hbm>> -> memref<8x128xi32, #tpu.memory_space<hbm>>
    %dma_start3A_47 = arith.constant 32 : i32
    %dma_start3A_48 = arith.constant 0 : i32
    %dma_start3A_49 = tpu.memref_slice %arg5[%dma_start3A_47, %dma_start3A_48] : memref<200x128xi32, #tpu.memory_space<vmem>> -> memref<8x128xi32, #tpu.memory_space<vmem>>
    %dma_start3A_50 = arith.constant 32 : i32
    %dma_start3A_51 = tpu.memref_slice %arg2[%dma_start3A_50, %mul3A_2] : memref<200x4096xi32, #tpu.memory_space<hbm>> -> memref<8x128xi32, #tpu.memory_space<hbm>>
    tpu.enqueue_dma source(%dma_start3A_51 : memref<8x128xi32, #tpu.memory_space<hbm>>) target(%dma_start3A_49 : memref<8x128xi32, #tpu.memory_space<vmem>>) target_semaphore(%arg12 : memref<!tpu.dma_semaphore, #tpu.memory_space<semaphore_mem>>)
    %dma_start3A_52 = arith.constant 40 : i32
    %dma_start3A_53 = arith.constant 0 : i32
    %dma_start3A_54 = tpu.memref_slice %arg5[%dma_start3A_52, %dma_start3A_53] : memref<200x128xi32, #tpu.memory_space<vmem>> -> memref<8x128xi32, #tpu.memory_space<vmem>>
    %dma_start3A_55 = arith.constant 40 : i32
    %dma_start3A_56 = tpu.memref_slice %arg2[%dma_start3A_55, %mul3A_2] : memref<200x4096xi32, #tpu.memory_space<hbm>> -> memref<8x128xi32, #tpu.memory_space<hbm>>
    %dma_start3A_57 = arith.constant 40 : i32
    %dma_start3A_58 = arith.constant 0 : i32
    %dma_start3A_59 = tpu.memref_slice %arg5[%dma_start3A_57, %dma_start3A_58] : memref<200x128xi32, #tpu.memory_space<vmem>> -> memref<8x128xi32, #tpu.memory_space<vmem>>
    %dma_start3A_60 = arith.constant 40 : i32
    %dma_start3A_61 = tpu.memref_slice %arg2[%dma_start3A_60, %mul3A_2] : memref<200x4096xi32, #tpu.memory_space<hbm>> -> memref<8x128xi32, #tpu.memory_space<hbm>>
    tpu.enqueue_dma source(%dma_start3A_61 : memref<8x128xi32, #tpu.memory_space<hbm>>) target(%dma_start3A_59 : memref<8x128xi32, #tpu.memory_space<vmem>>) target_semaphore(%arg12 : memref<!tpu.dma_semaphore, #tpu.memory_space<semaphore_mem>>)
    %dma_start3A_62 = arith.constant 48 : i32
    %dma_start3A_63 = arith.constant 0 : i32
    %dma_start3A_64 = tpu.memref_slice %arg5[%dma_start3A_62, %dma_start3A_63] : memref<200x128xi32, #tpu.memory_space<vmem>> -> memref<8x128xi32, #tpu.memory_space<vmem>>
    %dma_start3A_65 = arith.constant 48 : i32
    %dma_start3A_66 = tpu.memref_slice %arg2[%dma_start3A_65, %mul3A_2] : memref<200x4096xi32, #tpu.memory_space<hbm>> -> memref<8x128xi32, #tpu.memory_space<hbm>>
    %dma_start3A_67 = arith.constant 48 : i32
    %dma_start3A_68 = arith.constant 0 : i32
    %dma_start3A_69 = tpu.memref_slice %arg5[%dma_start3A_67, %dma_start3A_68] : memref<200x128xi32, #tpu.memory_space<vmem>> -> memref<8x128xi32, #tpu.memory_space<vmem>>
    %dma_start3A_70 = arith.constant 48 : i32
    %dma_start3A_71 = tpu.memref_slice %arg2[%dma_start3A_70, %mul3A_2] : memref<200x4096xi32, #tpu.memory_space<hbm>> -> memref<8x128xi32, #tpu.memory_space<hbm>>
    tpu.enqueue_dma source(%dma_start3A_71 : memref<8x128xi32, #tpu.memory_space<hbm>>) target(%dma_start3A_69 : memref<8x128xi32, #tpu.memory_space<vmem>>) target_semaphore(%arg12 : memref<!tpu.dma_semaphore, #tpu.memory_space<semaphore_mem>>)
    %dma_start3A_72 = arith.constant 56 : i32
    %dma_start3A_73 = arith.constant 0 : i32
    %dma_start3A_74 = tpu.memref_slice %arg5[%dma_start3A_72, %dma_start3A_73] : memref<200x128xi32, #tpu.memory_space<vmem>> -> memref<8x128xi32, #tpu.memory_space<vmem>>
    %dma_start3A_75 = arith.constant 56 : i32
    %dma_start3A_76 = tpu.memref_slice %arg2[%dma_start3A_75, %mul3A_2] : memref<200x4096xi32, #tpu.memory_space<hbm>> -> memref<8x128xi32, #tpu.memory_space<hbm>>
    %dma_start3A_77 = arith.constant 56 : i32
    %dma_start3A_78 = arith.constant 0 : i32
    %dma_start3A_79 = tpu.memref_slice %arg5[%dma_start3A_77, %dma_start3A_78] : memref<200x128xi32, #tpu.memory_space<vmem>> -> memref<8x128xi32, #tpu.memory_space<vmem>>
    %dma_start3A_80 = arith.constant 56 : i32
    %dma_start3A_81 = tpu.memref_slice %arg2[%dma_start3A_80, %mul3A_2] : memref<200x4096xi32, #tpu.memory_space<hbm>> -> memref<8x128xi32, #tpu.memory_space<hbm>>
    tpu.enqueue_dma source(%dma_start3A_81 : memref<8x128xi32, #tpu.memory_space<hbm>>) target(%dma_start3A_79 : memref<8x128xi32, #tpu.memory_space<vmem>>) target_semaphore(%arg12 : memref<!tpu.dma_semaphore, #tpu.memory_space<semaphore_mem>>)
    %dma_start3A_82 = arith.constant 64 : i32
    %dma_start3A_83 = arith.constant 0 : i32
    %dma_start3A_84 = tpu.memref_slice %arg5[%dma_start3A_82, %dma_start3A_83] : memref<200x128xi32, #tpu.memory_space<vmem>> -> memref<8x128xi32, #tpu.memory_space<vmem>>
    %dma_start3A_85 = arith.constant 64 : i32
    %dma_start3A_86 = tpu.memref_slice %arg2[%dma_start3A_85, %mul3A_2] : memref<200x4096xi32, #tpu.memory_space<hbm>> -> memref<8x128xi32, #tpu.memory_space<hbm>>
    %dma_start3A_87 = arith.constant 64 : i32
    %dma_start3A_88 = arith.constant 0 : i32
    %dma_start3A_89 = tpu.memref_slice %arg5[%dma_start3A_87, %dma_start3A_88] : memref<200x128xi32, #tpu.memory_space<vmem>> -> memref<8x128xi32, #tpu.memory_space<vmem>>
    %dma_start3A_90 = arith.constant 64 : i32
    %dma_start3A_91 = tpu.memref_slice %arg2[%dma_start3A_90, %mul3A_2] : memref<200x4096xi32, #tpu.memory_space<hbm>> -> memref<8x128xi32, #tpu.memory_space<hbm>>
    tpu.enqueue_dma source(%dma_start3A_91 : memref<8x128xi32, #tpu.memory_space<hbm>>) target(%dma_start3A_89 : memref<8x128xi32, #tpu.memory_space<vmem>>) target_semaphore(%arg12 : memref<!tpu.dma_semaphore, #tpu.memory_space<semaphore_mem>>)
    %dma_start3A_92 = arith.constant 72 : i32
    %dma_start3A_93 = arith.constant 0 : i32
    %dma_start3A_94 = tpu.memref_slice %arg5[%dma_start3A_92, %dma_start3A_93] : memref<200x128xi32, #tpu.memory_space<vmem>> -> memref<8x128xi32, #tpu.memory_space<vmem>>
    %dma_start3A_95 = arith.constant 72 : i32
    %dma_start3A_96 = tpu.memref_slice %arg2[%dma_start3A_95, %mul3A_2] : memref<200x4096xi32, #tpu.memory_space<hbm>> -> memref<8x128xi32, #tpu.memory_space<hbm>>
    %dma_start3A_97 = arith.constant 72 : i32
    %dma_start3A_98 = arith.constant 0 : i32
    %dma_start3A_99 = tpu.memref_slice %arg5[%dma_start3A_97, %dma_start3A_98] : memref<200x128xi32, #tpu.memory_space<vmem>> -> memref<8x128xi32, #tpu.memory_space<vmem>>
    %dma_start3A_100 = arith.constant 72 : i32
    %dma_start3A_101 = tpu.memref_slice %arg2[%dma_start3A_100, %mul3A_2] : memref<200x4096xi32, #tpu.memory_space<hbm>> -> memref<8x128xi32, #tpu.memory_space<hbm>>
    tpu.enqueue_dma source(%dma_start3A_101 : memref<8x128xi32, #tpu.memory_space<hbm>>) target(%dma_start3A_99 : memref<8x128xi32, #tpu.memory_space<vmem>>) target_semaphore(%arg12 : memref<!tpu.dma_semaphore, #tpu.memory_space<semaphore_mem>>)
    %dma_start3A_102 = arith.constant 80 : i32
    %dma_start3A_103 = arith.constant 0 : i32
    %dma_start3A_104 = tpu.memref_slice %arg5[%dma_start3A_102, %dma_start3A_103] : memref<200x128xi32, #tpu.memory_space<vmem>> -> memref<8x128xi32, #tpu.memory_space<vmem>>
    %dma_start3A_105 = arith.constant 80 : i32
    %dma_start3A_106 = tpu.memref_slice %arg2[%dma_start3A_105, %mul3A_2] : memref<200x4096xi32, #tpu.memory_space<hbm>> -> memref<8x128xi32, #tpu.memory_space<hbm>>
    %dma_start3A_107 = arith.constant 80 : i32
    %dma_start3A_108 = arith.constant 0 : i32
    %dma_start3A_109 = tpu.memref_slice %arg5[%dma_start3A_107, %dma_start3A_108] : memref<200x128xi32, #tpu.memory_space<vmem>> -> memref<8x128xi32, #tpu.memory_space<vmem>>
    %dma_start3A_110 = arith.constant 80 : i32
    %dma_start3A_111 = tpu.memref_slice %arg2[%dma_start3A_110, %mul3A_2] : memref<200x4096xi32, #tpu.memory_space<hbm>> -> memref<8x128xi32, #tpu.memory_space<hbm>>
    tpu.enqueue_dma source(%dma_start3A_111 : memref<8x128xi32, #tpu.memory_space<hbm>>) target(%dma_start3A_109 : memref<8x128xi32, #tpu.memory_space<vmem>>) target_semaphore(%arg12 : memref<!tpu.dma_semaphore, #tpu.memory_space<semaphore_mem>>)
    %dma_start3A_112 = arith.constant 88 : i32
    %dma_start3A_113 = arith.constant 0 : i32
    %dma_start3A_114 = tpu.memref_slice %arg5[%dma_start3A_112, %dma_start3A_113] : memref<200x128xi32, #tpu.memory_space<vmem>> -> memref<8x128xi32, #tpu.memory_space<vmem>>
    %dma_start3A_115 = arith.constant 88 : i32
    %dma_start3A_116 = tpu.memref_slice %arg2[%dma_start3A_115, %mul3A_2] : memref<200x4096xi32, #tpu.memory_space<hbm>> -> memref<8x128xi32, #tpu.memory_space<hbm>>
    %dma_start3A_117 = arith.constant 88 : i32
    %dma_start3A_118 = arith.constant 0 : i32
    %dma_start3A_119 = tpu.memref_slice %arg5[%dma_start3A_117, %dma_start3A_118] : memref<200x128xi32, #tpu.memory_space<vmem>> -> memref<8x128xi32, #tpu.memory_space<vmem>>
    %dma_start3A_120 = arith.constant 88 : i32
    %dma_start3A_121 = tpu.memref_slice %arg2[%dma_start3A_120, %mul3A_2] : memref<200x4096xi32, #tpu.memory_space<hbm>> -> memref<8x128xi32, #tpu.memory_space<hbm>>
    tpu.enqueue_dma source(%dma_start3A_121 : memref<8x128xi32, #tpu.memory_space<hbm>>) target(%dma_start3A_119 : memref<8x128xi32, #tpu.memory_space<vmem>>) target_semaphore(%arg12 : memref<!tpu.dma_semaphore, #tpu.memory_space<semaphore_mem>>)
    %dma_start3A_122 = arith.constant 96 : i32
    %dma_start3A_123 = arith.constant 0 : i32
    %dma_start3A_124 = tpu.memref_slice %arg5[%dma_start3A_122, %dma_start3A_123] : memref<200x128xi32, #tpu.memory_space<vmem>> -> memref<8x128xi32, #tpu.memory_space<vmem>>
    %dma_start3A_125 = arith.constant 96 : i32
    %dma_start3A_126 = tpu.memref_slice %arg2[%dma_start3A_125, %mul3A_2] : memref<200x4096xi32, #tpu.memory_space<hbm>> -> memref<8x128xi32, #tpu.memory_space<hbm>>
    %dma_start3A_127 = arith.constant 96 : i32
    %dma_start3A_128 = arith.constant 0 : i32
    %dma_start3A_129 = tpu.memref_slice %arg5[%dma_start3A_127, %dma_start3A_128] : memref<200x128xi32, #tpu.memory_space<vmem>> -> memref<8x128xi32, #tpu.memory_space<vmem>>
    %dma_start3A_130 = arith.constant 96 : i32
    %dma_start3A_131 = tpu.memref_slice %arg2[%dma_start3A_130, %mul3A_2] : memref<200x4096xi32, #tpu.memory_space<hbm>> -> memref<8x128xi32, #tpu.memory_space<hbm>>
    tpu.enqueue_dma source(%dma_start3A_131 : memref<8x128xi32, #tpu.memory_space<hbm>>) target(%dma_start3A_129 : memref<8x128xi32, #tpu.memory_space<vmem>>) target_semaphore(%arg12 : memref<!tpu.dma_semaphore, #tpu.memory_space<semaphore_mem>>)
    %dma_start3A_132 = arith.constant 104 : i32
    %dma_start3A_133 = arith.constant 0 : i32
    %dma_start3A_134 = tpu.memref_slice %arg5[%dma_start3A_132, %dma_start3A_133] : memref<200x128xi32, #tpu.memory_space<vmem>> -> memref<8x128xi32, #tpu.memory_space<vmem>>
    %dma_start3A_135 = arith.constant 104 : i32
    %dma_start3A_136 = tpu.memref_slice %arg2[%dma_start3A_135, %mul3A_2] : memref<200x4096xi32, #tpu.memory_space<hbm>> -> memref<8x128xi32, #tpu.memory_space<hbm>>
    %dma_start3A_137 = arith.constant 104 : i32
    %dma_start3A_138 = arith.constant 0 : i32
    %dma_start3A_139 = tpu.memref_slice %arg5[%dma_start3A_137, %dma_start3A_138] : memref<200x128xi32, #tpu.memory_space<vmem>> -> memref<8x128xi32, #tpu.memory_space<vmem>>
    %dma_start3A_140 = arith.constant 104 : i32
    %dma_start3A_141 = tpu.memref_slice %arg2[%dma_start3A_140, %mul3A_2] : memref<200x4096xi32, #tpu.memory_space<hbm>> -> memref<8x128xi32, #tpu.memory_space<hbm>>
    tpu.enqueue_dma source(%dma_start3A_141 : memref<8x128xi32, #tpu.memory_space<hbm>>) target(%dma_start3A_139 : memref<8x128xi32, #tpu.memory_space<vmem>>) target_semaphore(%arg12 : memref<!tpu.dma_semaphore, #tpu.memory_space<semaphore_mem>>)
    %dma_start3A_142 = arith.constant 112 : i32
    %dma_start3A_143 = arith.constant 0 : i32
    %dma_start3A_144 = tpu.memref_slice %arg5[%dma_start3A_142, %dma_start3A_143] : memref<200x128xi32, #tpu.memory_space<vmem>> -> memref<8x128xi32, #tpu.memory_space<vmem>>
    %dma_start3A_145 = arith.constant 112 : i32
    %dma_start3A_146 = tpu.memref_slice %arg2[%dma_start3A_145, %mul3A_2] : memref<200x4096xi32, #tpu.memory_space<hbm>> -> memref<8x128xi32, #tpu.memory_space<hbm>>
    %dma_start3A_147 = arith.constant 112 : i32
    %dma_start3A_148 = arith.constant 0 : i32
    %dma_start3A_149 = tpu.memref_slice %arg5[%dma_start3A_147, %dma_start3A_148] : memref<200x128xi32, #tpu.memory_space<vmem>> -> memref<8x128xi32, #tpu.memory_space<vmem>>
    %dma_start3A_150 = arith.constant 112 : i32
    %dma_start3A_151 = tpu.memref_slice %arg2[%dma_start3A_150, %mul3A_2] : memref<200x4096xi32, #tpu.memory_space<hbm>> -> memref<8x128xi32, #tpu.memory_space<hbm>>
    tpu.enqueue_dma source(%dma_start3A_151 : memref<8x128xi32, #tpu.memory_space<hbm>>) target(%dma_start3A_149 : memref<8x128xi32, #tpu.memory_space<vmem>>) target_semaphore(%arg12 : memref<!tpu.dma_semaphore, #tpu.memory_space<semaphore_mem>>)
    %dma_start3A_152 = arith.constant 120 : i32
    %dma_start3A_153 = arith.constant 0 : i32
    %dma_start3A_154 = tpu.memref_slice %arg5[%dma_start3A_152, %dma_start3A_153] : memref<200x128xi32, #tpu.memory_space<vmem>> -> memref<8x128xi32, #tpu.memory_space<vmem>>
    %dma_start3A_155 = arith.constant 120 : i32
    %dma_start3A_156 = tpu.memref_slice %arg2[%dma_start3A_155, %mul3A_2] : memref<200x4096xi32, #tpu.memory_space<hbm>> -> memref<8x128xi32, #tpu.memory_space<hbm>>
    %dma_start3A_157 = arith.constant 120 : i32
    %dma_start3A_158 = arith.constant 0 : i32
    %dma_start3A_159 = tpu.memref_slice %arg5[%dma_start3A_157, %dma_start3A_158] : memref<200x128xi32, #tpu.memory_space<vmem>> -> memref<8x128xi32, #tpu.memory_space<vmem>>
    %dma_start3A_160 = arith.constant 120 : i32
    %dma_start3A_161 = tpu.memref_slice %arg2[%dma_start3A_160, %mul3A_2] : memref<200x4096xi32, #tpu.memory_space<hbm>> -> memref<8x128xi32, #tpu.memory_space<hbm>>
    tpu.enqueue_dma source(%dma_start3A_161 : memref<8x128xi32, #tpu.memory_space<hbm>>) target(%dma_start3A_159 : memref<8x128xi32, #tpu.memory_space<vmem>>) target_semaphore(%arg12 : memref<!tpu.dma_semaphore, #tpu.memory_space<semaphore_mem>>)
    %dma_start3A_162 = arith.constant 128 : i32
    %dma_start3A_163 = arith.constant 0 : i32
    %dma_start3A_164 = tpu.memref_slice %arg5[%dma_start3A_162, %dma_start3A_163] : memref<200x128xi32, #tpu.memory_space<vmem>> -> memref<8x128xi32, #tpu.memory_space<vmem>>
    %dma_start3A_165 = arith.constant 128 : i32
    %dma_start3A_166 = tpu.memref_slice %arg2[%dma_start3A_165, %mul3A_2] : memref<200x4096xi32, #tpu.memory_space<hbm>> -> memref<8x128xi32, #tpu.memory_space<hbm>>
    %dma_start3A_167 = arith.constant 128 : i32
    %dma_start3A_168 = arith.constant 0 : i32
    %dma_start3A_169 = tpu.memref_slice %arg5[%dma_start3A_167, %dma_start3A_168] : memref<200x128xi32, #tpu.memory_space<vmem>> -> memref<8x128xi32, #tpu.memory_space<vmem>>
    %dma_start3A_170 = arith.constant 128 : i32
    %dma_start3A_171 = tpu.memref_slice %arg2[%dma_start3A_170, %mul3A_2] : memref<200x4096xi32, #tpu.memory_space<hbm>> -> memref<8x128xi32, #tpu.memory_space<hbm>>
    tpu.enqueue_dma source(%dma_start3A_171 : memref<8x128xi32, #tpu.memory_space<hbm>>) target(%dma_start3A_169 : memref<8x128xi32, #tpu.memory_space<vmem>>) target_semaphore(%arg12 : memref<!tpu.dma_semaphore, #tpu.memory_space<semaphore_mem>>)
    %dma_start3A_172 = arith.constant 136 : i32
    %dma_start3A_173 = arith.constant 0 : i32
    %dma_start3A_174 = tpu.memref_slice %arg5[%dma_start3A_172, %dma_start3A_173] : memref<200x128xi32, #tpu.memory_space<vmem>> -> memref<8x128xi32, #tpu.memory_space<vmem>>
    %dma_start3A_175 = arith.constant 136 : i32
    %dma_start3A_176 = tpu.memref_slice %arg2[%dma_start3A_175, %mul3A_2] : memref<200x4096xi32, #tpu.memory_space<hbm>> -> memref<8x128xi32, #tpu.memory_space<hbm>>
    %dma_start3A_177 = arith.constant 136 : i32
    %dma_start3A_178 = arith.constant 0 : i32
    %dma_start3A_179 = tpu.memref_slice %arg5[%dma_start3A_177, %dma_start3A_178] : memref<200x128xi32, #tpu.memory_space<vmem>> -> memref<8x128xi32, #tpu.memory_space<vmem>>
    %dma_start3A_180 = arith.constant 136 : i32
    %dma_start3A_181 = tpu.memref_slice %arg2[%dma_start3A_180, %mul3A_2] : memref<200x4096xi32, #tpu.memory_space<hbm>> -> memref<8x128xi32, #tpu.memory_space<hbm>>
    tpu.enqueue_dma source(%dma_start3A_181 : memref<8x128xi32, #tpu.memory_space<hbm>>) target(%dma_start3A_179 : memref<8x128xi32, #tpu.memory_space<vmem>>) target_semaphore(%arg12 : memref<!tpu.dma_semaphore, #tpu.memory_space<semaphore_mem>>)
    %dma_start3A_182 = arith.constant 144 : i32
    %dma_start3A_183 = arith.constant 0 : i32
    %dma_start3A_184 = tpu.memref_slice %arg5[%dma_start3A_182, %dma_start3A_183] : memref<200x128xi32, #tpu.memory_space<vmem>> -> memref<8x128xi32, #tpu.memory_space<vmem>>
    %dma_start3A_185 = arith.constant 144 : i32
    %dma_start3A_186 = tpu.memref_slice %arg2[%dma_start3A_185, %mul3A_2] : memref<200x4096xi32, #tpu.memory_space<hbm>> -> memref<8x128xi32, #tpu.memory_space<hbm>>
    %dma_start3A_187 = arith.constant 144 : i32
    %dma_start3A_188 = arith.constant 0 : i32
    %dma_start3A_189 = tpu.memref_slice %arg5[%dma_start3A_187, %dma_start3A_188] : memref<200x128xi32, #tpu.memory_space<vmem>> -> memref<8x128xi32, #tpu.memory_space<vmem>>
    %dma_start3A_190 = arith.constant 144 : i32
    %dma_start3A_191 = tpu.memref_slice %arg2[%dma_start3A_190, %mul3A_2] : memref<200x4096xi32, #tpu.memory_space<hbm>> -> memref<8x128xi32, #tpu.memory_space<hbm>>
    tpu.enqueue_dma source(%dma_start3A_191 : memref<8x128xi32, #tpu.memory_space<hbm>>) target(%dma_start3A_189 : memref<8x128xi32, #tpu.memory_space<vmem>>) target_semaphore(%arg12 : memref<!tpu.dma_semaphore, #tpu.memory_space<semaphore_mem>>)
    %dma_start3A_192 = arith.constant 152 : i32
    %dma_start3A_193 = arith.constant 0 : i32
    %dma_start3A_194 = tpu.memref_slice %arg5[%dma_start3A_192, %dma_start3A_193] : memref<200x128xi32, #tpu.memory_space<vmem>> -> memref<8x128xi32, #tpu.memory_space<vmem>>
    %dma_start3A_195 = arith.constant 152 : i32
    %dma_start3A_196 = tpu.memref_slice %arg2[%dma_start3A_195, %mul3A_2] : memref<200x4096xi32, #tpu.memory_space<hbm>> -> memref<8x128xi32, #tpu.memory_space<hbm>>
    %dma_start3A_197 = arith.constant 152 : i32
    %dma_start3A_198 = arith.constant 0 : i32
    %dma_start3A_199 = tpu.memref_slice %arg5[%dma_start3A_197, %dma_start3A_198] : memref<200x128xi32, #tpu.memory_space<vmem>> -> memref<8x128xi32, #tpu.memory_space<vmem>>
    %dma_start3A_200 = arith.constant 152 : i32
    %dma_start3A_201 = tpu.memref_slice %arg2[%dma_start3A_200, %mul3A_2] : memref<200x4096xi32, #tpu.memory_space<hbm>> -> memref<8x128xi32, #tpu.memory_space<hbm>>
    tpu.enqueue_dma source(%dma_start3A_201 : memref<8x128xi32, #tpu.memory_space<hbm>>) target(%dma_start3A_199 : memref<8x128xi32, #tpu.memory_space<vmem>>) target_semaphore(%arg12 : memref<!tpu.dma_semaphore, #tpu.memory_space<semaphore_mem>>)
    %dma_start3A_202 = arith.constant 160 : i32
    %dma_start3A_203 = arith.constant 0 : i32
    %dma_start3A_204 = tpu.memref_slice %arg5[%dma_start3A_202, %dma_start3A_203] : memref<200x128xi32, #tpu.memory_space<vmem>> -> memref<8x128xi32, #tpu.memory_space<vmem>>
    %dma_start3A_205 = arith.constant 160 : i32
    %dma_start3A_206 = tpu.memref_slice %arg2[%dma_start3A_205, %mul3A_2] : memref<200x4096xi32, #tpu.memory_space<hbm>> -> memref<8x128xi32, #tpu.memory_space<hbm>>
    %dma_start3A_207 = arith.constant 160 : i32
    %dma_start3A_208 = arith.constant 0 : i32
    %dma_start3A_209 = tpu.memref_slice %arg5[%dma_start3A_207, %dma_start3A_208] : memref<200x128xi32, #tpu.memory_space<vmem>> -> memref<8x128xi32, #tpu.memory_space<vmem>>
    %dma_start3A_210 = arith.constant 160 : i32
    %dma_start3A_211 = tpu.memref_slice %arg2[%dma_start3A_210, %mul3A_2] : memref<200x4096xi32, #tpu.memory_space<hbm>> -> memref<8x128xi32, #tpu.memory_space<hbm>>
    tpu.enqueue_dma source(%dma_start3A_211 : memref<8x128xi32, #tpu.memory_space<hbm>>) target(%dma_start3A_209 : memref<8x128xi32, #tpu.memory_space<vmem>>) target_semaphore(%arg12 : memref<!tpu.dma_semaphore, #tpu.memory_space<semaphore_mem>>)
    %dma_start3A_212 = arith.constant 168 : i32
    %dma_start3A_213 = arith.constant 0 : i32
    %dma_start3A_214 = tpu.memref_slice %arg5[%dma_start3A_212, %dma_start3A_213] : memref<200x128xi32, #tpu.memory_space<vmem>> -> memref<8x128xi32, #tpu.memory_space<vmem>>
    %dma_start3A_215 = arith.constant 168 : i32
    %dma_start3A_216 = tpu.memref_slice %arg2[%dma_start3A_215, %mul3A_2] : memref<200x4096xi32, #tpu.memory_space<hbm>> -> memref<8x128xi32, #tpu.memory_space<hbm>>
    %dma_start3A_217 = arith.constant 168 : i32
    %dma_start3A_218 = arith.constant 0 : i32
    %dma_start3A_219 = tpu.memref_slice %arg5[%dma_start3A_217, %dma_start3A_218] : memref<200x128xi32, #tpu.memory_space<vmem>> -> memref<8x128xi32, #tpu.memory_space<vmem>>
    %dma_start3A_220 = arith.constant 168 : i32
    %dma_start3A_221 = tpu.memref_slice %arg2[%dma_start3A_220, %mul3A_2] : memref<200x4096xi32, #tpu.memory_space<hbm>> -> memref<8x128xi32, #tpu.memory_space<hbm>>
    tpu.enqueue_dma source(%dma_start3A_221 : memref<8x128xi32, #tpu.memory_space<hbm>>) target(%dma_start3A_219 : memref<8x128xi32, #tpu.memory_space<vmem>>) target_semaphore(%arg12 : memref<!tpu.dma_semaphore, #tpu.memory_space<semaphore_mem>>)
    %dma_start3A_222 = arith.constant 176 : i32
    %dma_start3A_223 = arith.constant 0 : i32
    %dma_start3A_224 = tpu.memref_slice %arg5[%dma_start3A_222, %dma_start3A_223] : memref<200x128xi32, #tpu.memory_space<vmem>> -> memref<8x128xi32, #tpu.memory_space<vmem>>
    %dma_start3A_225 = arith.constant 176 : i32
    %dma_start3A_226 = tpu.memref_slice %arg2[%dma_start3A_225, %mul3A_2] : memref<200x4096xi32, #tpu.memory_space<hbm>> -> memref<8x128xi32, #tpu.memory_space<hbm>>
    %dma_start3A_227 = arith.constant 176 : i32
    %dma_start3A_228 = arith.constant 0 : i32
    %dma_start3A_229 = tpu.memref_slice %arg5[%dma_start3A_227, %dma_start3A_228] : memref<200x128xi32, #tpu.memory_space<vmem>> -> memref<8x128xi32, #tpu.memory_space<vmem>>
    %dma_start3A_230 = arith.constant 176 : i32
    %dma_start3A_231 = tpu.memref_slice %arg2[%dma_start3A_230, %mul3A_2] : memref<200x4096xi32, #tpu.memory_space<hbm>> -> memref<8x128xi32, #tpu.memory_space<hbm>>
    tpu.enqueue_dma source(%dma_start3A_231 : memref<8x128xi32, #tpu.memory_space<hbm>>) target(%dma_start3A_229 : memref<8x128xi32, #tpu.memory_space<vmem>>) target_semaphore(%arg12 : memref<!tpu.dma_semaphore, #tpu.memory_space<semaphore_mem>>)
    %dma_start3A_232 = arith.constant 184 : i32
    %dma_start3A_233 = arith.constant 0 : i32
    %dma_start3A_234 = tpu.memref_slice %arg5[%dma_start3A_232, %dma_start3A_233] : memref<200x128xi32, #tpu.memory_space<vmem>> -> memref<8x128xi32, #tpu.memory_space<vmem>>
    %dma_start3A_235 = arith.constant 184 : i32
    %dma_start3A_236 = tpu.memref_slice %arg2[%dma_start3A_235, %mul3A_2] : memref<200x4096xi32, #tpu.memory_space<hbm>> -> memref<8x128xi32, #tpu.memory_space<hbm>>
    %dma_start3A_237 = arith.constant 184 : i32
    %dma_start3A_238 = arith.constant 0 : i32
    %dma_start3A_239 = tpu.memref_slice %arg5[%dma_start3A_237, %dma_start3A_238] : memref<200x128xi32, #tpu.memory_space<vmem>> -> memref<8x128xi32, #tpu.memory_space<vmem>>
    %dma_start3A_240 = arith.constant 184 : i32
    %dma_start3A_241 = tpu.memref_slice %arg2[%dma_start3A_240, %mul3A_2] : memref<200x4096xi32, #tpu.memory_space<hbm>> -> memref<8x128xi32, #tpu.memory_space<hbm>>
    tpu.enqueue_dma source(%dma_start3A_241 : memref<8x128xi32, #tpu.memory_space<hbm>>) target(%dma_start3A_239 : memref<8x128xi32, #tpu.memory_space<vmem>>) target_semaphore(%arg12 : memref<!tpu.dma_semaphore, #tpu.memory_space<semaphore_mem>>)
    %dma_start3A_242 = arith.constant 192 : i32
    %dma_start3A_243 = arith.constant 0 : i32
    %dma_start3A_244 = tpu.memref_slice %arg5[%dma_start3A_242, %dma_start3A_243] : memref<200x128xi32, #tpu.memory_space<vmem>> -> memref<8x128xi32, #tpu.memory_space<vmem>>
    %dma_start3A_245 = arith.constant 192 : i32
    %dma_start3A_246 = tpu.memref_slice %arg2[%dma_start3A_245, %mul3A_2] : memref<200x4096xi32, #tpu.memory_space<hbm>> -> memref<8x128xi32, #tpu.memory_space<hbm>>
    %dma_start3A_247 = arith.constant 192 : i32
    %dma_start3A_248 = arith.constant 0 : i32
    %dma_start3A_249 = tpu.memref_slice %arg5[%dma_start3A_247, %dma_start3A_248] : memref<200x128xi32, #tpu.memory_space<vmem>> -> memref<8x128xi32, #tpu.memory_space<vmem>>
    %dma_start3A_250 = arith.constant 192 : i32
    %dma_start3A_251 = tpu.memref_slice %arg2[%dma_start3A_250, %mul3A_2] : memref<200x4096xi32, #tpu.memory_space<hbm>> -> memref<8x128xi32, #tpu.memory_space<hbm>>
    tpu.enqueue_dma source(%dma_start3A_251 : memref<8x128xi32, #tpu.memory_space<hbm>>) target(%dma_start3A_249 : memref<8x128xi32, #tpu.memory_space<vmem>>) target_semaphore(%arg12 : memref<!tpu.dma_semaphore, #tpu.memory_space<semaphore_mem>>)
    %dma_wait3A = arith.constant 0 : i32
    %dma_wait3A_252 = arith.constant 0 : i32
    %dma_wait3A_253 = tpu.memref_slice %arg5[%dma_wait3A, %dma_wait3A_252] : memref<200x128xi32, #tpu.memory_space<vmem>> -> memref<8x128xi32, #tpu.memory_space<vmem>>
    %dma_wait3A_254 = arith.constant 0 : i32
    %dma_wait3A_255 = arith.constant 0 : i32
    %dma_wait3A_256 = tpu.memref_slice %arg2[%dma_wait3A_254, %dma_wait3A_255] : memref<200x4096xi32, #tpu.memory_space<hbm>> -> memref<8x128xi32, #tpu.memory_space<hbm>>
    %dma_wait3A_257 = arith.constant 0 : i32
    %dma_wait3A_258 = arith.constant 0 : i32
    %dma_wait3A_259 = tpu.memref_slice %arg5[%dma_wait3A_257, %dma_wait3A_258] : memref<200x128xi32, #tpu.memory_space<vmem>> -> memref<8x128xi32, #tpu.memory_space<vmem>>
    %dma_wait3A_260 = arith.constant 0 : i32
    %dma_wait3A_261 = arith.constant 0 : i32
    %dma_wait3A_262 = tpu.memref_slice %arg2[%dma_wait3A_260, %dma_wait3A_261] : memref<200x4096xi32, #tpu.memory_space<hbm>> -> memref<8x128xi32, #tpu.memory_space<hbm>>
    tpu.wait_dma2 semaphore(%arg12 : memref<!tpu.dma_semaphore, #tpu.memory_space<semaphore_mem>>) src(%dma_wait3A_262 : memref<8x128xi32, #tpu.memory_space<hbm>>) dst(%dma_wait3A_259 : memref<8x128xi32, #tpu.memory_space<vmem>>)
    %dma_wait3A_263 = arith.constant 0 : i32
    %dma_wait3A_264 = arith.constant 0 : i32
    %dma_wait3A_265 = tpu.memref_slice %arg5[%dma_wait3A_263, %dma_wait3A_264] : memref<200x128xi32, #tpu.memory_space<vmem>> -> memref<8x128xi32, #tpu.memory_space<vmem>>
    %dma_wait3A_266 = arith.constant 0 : i32
    %dma_wait3A_267 = arith.constant 0 : i32
    %dma_wait3A_268 = tpu.memref_slice %arg2[%dma_wait3A_266, %dma_wait3A_267] : memref<200x4096xi32, #tpu.memory_space<hbm>> -> memref<8x128xi32, #tpu.memory_space<hbm>>
    %dma_wait3A_269 = arith.constant 0 : i32
    %dma_wait3A_270 = arith.constant 0 : i32
    %dma_wait3A_271 = tpu.memref_slice %arg5[%dma_wait3A_269, %dma_wait3A_270] : memref<200x128xi32, #tpu.memory_space<vmem>> -> memref<8x128xi32, #tpu.memory_space<vmem>>
    %dma_wait3A_272 = arith.constant 0 : i32
    %dma_wait3A_273 = arith.constant 0 : i32
    %dma_wait3A_274 = tpu.memref_slice %arg2[%dma_wait3A_272, %dma_wait3A_273] : memref<200x4096xi32, #tpu.memory_space<hbm>> -> memref<8x128xi32, #tpu.memory_space<hbm>>
    tpu.wait_dma2 semaphore(%arg12 : memref<!tpu.dma_semaphore, #tpu.memory_space<semaphore_mem>>) src(%dma_wait3A_274 : memref<8x128xi32, #tpu.memory_space<hbm>>) dst(%dma_wait3A_271 : memref<8x128xi32, #tpu.memory_space<vmem>>)
    %dma_wait3A_275 = arith.constant 0 : i32
    %dma_wait3A_276 = arith.constant 0 : i32
    %dma_wait3A_277 = tpu.memref_slice %arg5[%dma_wait3A_275, %dma_wait3A_276] : memref<200x128xi32, #tpu.memory_space<vmem>> -> memref<8x128xi32, #tpu.memory_space<vmem>>
    %dma_wait3A_278 = arith.constant 0 : i32
    %dma_wait3A_279 = arith.constant 0 : i32
    %dma_wait3A_280 = tpu.memref_slice %arg2[%dma_wait3A_278, %dma_wait3A_279] : memref<200x4096xi32, #tpu.memory_space<hbm>> -> memref<8x128xi32, #tpu.memory_space<hbm>>
    %dma_wait3A_281 = arith.constant 0 : i32
    %dma_wait3A_282 = arith.constant 0 : i32
    %dma_wait3A_283 = tpu.memref_slice %arg5[%dma_wait3A_281, %dma_wait3A_282] : memref<200x128xi32, #tpu.memory_space<vmem>> -> memref<8x128xi32, #tpu.memory_space<vmem>>
    %dma_wait3A_284 = arith.constant 0 : i32
    %dma_wait3A_285 = arith.constant 0 : i32
    %dma_wait3A_286 = tpu.memref_slice %arg2[%dma_wait3A_284, %dma_wait3A_285] : memref<200x4096xi32, #tpu.memory_space<hbm>> -> memref<8x128xi32, #tpu.memory_space<hbm>>
    tpu.wait_dma2 semaphore(%arg12 : memref<!tpu.dma_semaphore, #tpu.memory_space<semaphore_mem>>) src(%dma_wait3A_286 : memref<8x128xi32, #tpu.memory_space<hbm>>) dst(%dma_wait3A_283 : memref<8x128xi32, #tpu.memory_space<vmem>>)
    %dma_wait3A_287 = arith.constant 0 : i32
    %dma_wait3A_288 = arith.constant 0 : i32
    %dma_wait3A_289 = tpu.memref_slice %arg5[%dma_wait3A_287, %dma_wait3A_288] : memref<200x128xi32, #tpu.memory_space<vmem>> -> memref<8x128xi32, #tpu.memory_space<vmem>>
    %dma_wait3A_290 = arith.constant 0 : i32
    %dma_wait3A_291 = arith.constant 0 : i32
    %dma_wait3A_292 = tpu.memref_slice %arg2[%dma_wait3A_290, %dma_wait3A_291] : memref<200x4096xi32, #tpu.memory_space<hbm>> -> memref<8x128xi32, #tpu.memory_space<hbm>>
    %dma_wait3A_293 = arith.constant 0 : i32
    %dma_wait3A_294 = arith.constant 0 : i32
    %dma_wait3A_295 = tpu.memref_slice %arg5[%dma_wait3A_293, %dma_wait3A_294] : memref<200x128xi32, #tpu.memory_space<vmem>> -> memref<8x128xi32, #tpu.memory_space<vmem>>
    %dma_wait3A_296 = arith.constant 0 : i32
    %dma_wait3A_297 = arith.constant 0 : i32
    %dma_wait3A_298 = tpu.memref_slice %arg2[%dma_wait3A_296, %dma_wait3A_297] : memref<200x4096xi32, #tpu.memory_space<hbm>> -> memref<8x128xi32, #tpu.memory_space<hbm>>
    tpu.wait_dma2 semaphore(%arg12 : memref<!tpu.dma_semaphore, #tpu.memory_space<semaphore_mem>>) src(%dma_wait3A_298 : memref<8x128xi32, #tpu.memory_space<hbm>>) dst(%dma_wait3A_295 : memref<8x128xi32, #tpu.memory_space<vmem>>)
    %dma_wait3A_299 = arith.constant 0 : i32
    %dma_wait3A_300 = arith.constant 0 : i32
    %dma_wait3A_301 = tpu.memref_slice %arg5[%dma_wait3A_299, %dma_wait3A_300] : memref<200x128xi32, #tpu.memory_space<vmem>> -> memref<8x128xi32, #tpu.memory_space<vmem>>
    %dma_wait3A_302 = arith.constant 0 : i32
    %dma_wait3A_303 = arith.constant 0 : i32
    %dma_wait3A_304 = tpu.memref_slice %arg2[%dma_wait3A_302, %dma_wait3A_303] : memref<200x4096xi32, #tpu.memory_space<hbm>> -> memref<8x128xi32, #tpu.memory_space<hbm>>
    %dma_wait3A_305 = arith.constant 0 : i32
    %dma_wait3A_306 = arith.constant 0 : i32
    %dma_wait3A_307 = tpu.memref_slice %arg5[%dma_wait3A_305, %dma_wait3A_306] : memref<200x128xi32, #tpu.memory_space<vmem>> -> memref<8x128xi32, #tpu.memory_space<vmem>>
    %dma_wait3A_308 = arith.constant 0 : i32
    %dma_wait3A_309 = arith.constant 0 : i32
    %dma_wait3A_310 = tpu.memref_slice %arg2[%dma_wait3A_308, %dma_wait3A_309] : memref<200x4096xi32, #tpu.memory_space<hbm>> -> memref<8x128xi32, #tpu.memory_space<hbm>>
    tpu.wait_dma2 semaphore(%arg12 : memref<!tpu.dma_semaphore, #tpu.memory_space<semaphore_mem>>) src(%dma_wait3A_310 : memref<8x128xi32, #tpu.memory_space<hbm>>) dst(%dma_wait3A_307 : memref<8x128xi32, #tpu.memory_space<vmem>>)
    %dma_wait3A_311 = arith.constant 0 : i32
    %dma_wait3A_312 = arith.constant 0 : i32
    %dma_wait3A_313 = tpu.memref_slice %arg5[%dma_wait3A_311, %dma_wait3A_312] : memref<200x128xi32, #tpu.memory_space<vmem>> -> memref<8x128xi32, #tpu.memory_space<vmem>>
    %dma_wait3A_314 = arith.constant 0 : i32
    %dma_wait3A_315 = arith.constant 0 : i32
    %dma_wait3A_316 = tpu.memref_slice %arg2[%dma_wait3A_314, %dma_wait3A_315] : memref<200x4096xi32, #tpu.memory_space<hbm>> -> memref<8x128xi32, #tpu.memory_space<hbm>>
    %dma_wait3A_317 = arith.constant 0 : i32
    %dma_wait3A_318 = arith.constant 0 : i32
    %dma_wait3A_319 = tpu.memref_slice %arg5[%dma_wait3A_317, %dma_wait3A_318] : memref<200x128xi32, #tpu.memory_space<vmem>> -> memref<8x128xi32, #tpu.memory_space<vmem>>
    %dma_wait3A_320 = arith.constant 0 : i32
    %dma_wait3A_321 = arith.constant 0 : i32
    %dma_wait3A_322 = tpu.memref_slice %arg2[%dma_wait3A_320, %dma_wait3A_321] : memref<200x4096xi32, #tpu.memory_space<hbm>> -> memref<8x128xi32, #tpu.memory_space<hbm>>
    tpu.wait_dma2 semaphore(%arg12 : memref<!tpu.dma_semaphore, #tpu.memory_space<semaphore_mem>>) src(%dma_wait3A_322 : memref<8x128xi32, #tpu.memory_space<hbm>>) dst(%dma_wait3A_319 : memref<8x128xi32, #tpu.memory_space<vmem>>)
    %dma_wait3A_323 = arith.constant 0 : i32
    %dma_wait3A_324 = arith.constant 0 : i32
    %dma_wait3A_325 = tpu.memref_slice %arg5[%dma_wait3A_323, %dma_wait3A_324] : memref<200x128xi32, #tpu.memory_space<vmem>> -> memref<8x128xi32, #tpu.memory_space<vmem>>
    %dma_wait3A_326 = arith.constant 0 : i32
    %dma_wait3A_327 = arith.constant 0 : i32
    %dma_wait3A_328 = tpu.memref_slice %arg2[%dma_wait3A_326, %dma_wait3A_327] : memref<200x4096xi32, #tpu.memory_space<hbm>> -> memref<8x128xi32, #tpu.memory_space<hbm>>
    %dma_wait3A_329 = arith.constant 0 : i32
    %dma_wait3A_330 = arith.constant 0 : i32
    %dma_wait3A_331 = tpu.memref_slice %arg5[%dma_wait3A_329, %dma_wait3A_330] : memref<200x128xi32, #tpu.memory_space<vmem>> -> memref<8x128xi32, #tpu.memory_space<vmem>>
    %dma_wait3A_332 = arith.constant 0 : i32
    %dma_wait3A_333 = arith.constant 0 : i32
    %dma_wait3A_334 = tpu.memref_slice %arg2[%dma_wait3A_332, %dma_wait3A_333] : memref<200x4096xi32, #tpu.memory_space<hbm>> -> memref<8x128xi32, #tpu.memory_space<hbm>>
    tpu.wait_dma2 semaphore(%arg12 : memref<!tpu.dma_semaphore, #tpu.memory_space<semaphore_mem>>) src(%dma_wait3A_334 : memref<8x128xi32, #tpu.memory_space<hbm>>) dst(%dma_wait3A_331 : memref<8x128xi32, #tpu.memory_space<vmem>>)
    %dma_wait3A_335 = arith.constant 0 : i32
    %dma_wait3A_336 = arith.constant 0 : i32
    %dma_wait3A_337 = tpu.memref_slice %arg5[%dma_wait3A_335, %dma_wait3A_336] : memref<200x128xi32, #tpu.memory_space<vmem>> -> memref<8x128xi32, #tpu.memory_space<vmem>>
    %dma_wait3A_338 = arith.constant 0 : i32
    %dma_wait3A_339 = arith.constant 0 : i32
    %dma_wait3A_340 = tpu.memref_slice %arg2[%dma_wait3A_338, %dma_wait3A_339] : memref<200x4096xi32, #tpu.memory_space<hbm>> -> memref<8x128xi32, #tpu.memory_space<hbm>>
    %dma_wait3A_341 = arith.constant 0 : i32
    %dma_wait3A_342 = arith.constant 0 : i32
    %dma_wait3A_343 = tpu.memref_slice %arg5[%dma_wait3A_341, %dma_wait3A_342] : memref<200x128xi32, #tpu.memory_space<vmem>> -> memref<8x128xi32, #tpu.memory_space<vmem>>
    %dma_wait3A_344 = arith.constant 0 : i32
    %dma_wait3A_345 = arith.constant 0 : i32
    %dma_wait3A_346 = tpu.memref_slice %arg2[%dma_wait3A_344, %dma_wait3A_345] : memref<200x4096xi32, #tpu.memory_space<hbm>> -> memref<8x128xi32, #tpu.memory_space<hbm>>
    tpu.wait_dma2 semaphore(%arg12 : memref<!tpu.dma_semaphore, #tpu.memory_space<semaphore_mem>>) src(%dma_wait3A_346 : memref<8x128xi32, #tpu.memory_space<hbm>>) dst(%dma_wait3A_343 : memref<8x128xi32, #tpu.memory_space<vmem>>)
    %dma_wait3A_347 = arith.constant 0 : i32
    %dma_wait3A_348 = arith.constant 0 : i32
    %dma_wait3A_349 = tpu.memref_slice %arg5[%dma_wait3A_347, %dma_wait3A_348] : memref<200x128xi32, #tpu.memory_space<vmem>> -> memref<8x128xi32, #tpu.memory_space<vmem>>
    %dma_wait3A_350 = arith.constant 0 : i32
    %dma_wait3A_351 = arith.constant 0 : i32
    %dma_wait3A_352 = tpu.memref_slice %arg2[%dma_wait3A_350, %dma_wait3A_351] : memref<200x4096xi32, #tpu.memory_space<hbm>> -> memref<8x128xi32, #tpu.memory_space<hbm>>
    %dma_wait3A_353 = arith.constant 0 : i32
    %dma_wait3A_354 = arith.constant 0 : i32
    %dma_wait3A_355 = tpu.memref_slice %arg5[%dma_wait3A_353, %dma_wait3A_354] : memref<200x128xi32, #tpu.memory_space<vmem>> -> memref<8x128xi32, #tpu.memory_space<vmem>>
    %dma_wait3A_356 = arith.constant 0 : i32
    %dma_wait3A_357 = arith.constant 0 : i32
    %dma_wait3A_358 = tpu.memref_slice %arg2[%dma_wait3A_356, %dma_wait3A_357] : memref<200x4096xi32, #tpu.memory_space<hbm>> -> memref<8x128xi32, #tpu.memory_space<hbm>>
    tpu.wait_dma2 semaphore(%arg12 : memref<!tpu.dma_semaphore, #tpu.memory_space<semaphore_mem>>) src(%dma_wait3A_358 : memref<8x128xi32, #tpu.memory_space<hbm>>) dst(%dma_wait3A_355 : memref<8x128xi32, #tpu.memory_space<vmem>>)
    %dma_wait3A_359 = arith.constant 0 : i32
    %dma_wait3A_360 = arith.constant 0 : i32
    %dma_wait3A_361 = tpu.memref_slice %arg5[%dma_wait3A_359, %dma_wait3A_360] : memref<200x128xi32, #tpu.memory_space<vmem>> -> memref<8x128xi32, #tpu.memory_space<vmem>>
    %dma_wait3A_362 = arith.constant 0 : i32
    %dma_wait3A_363 = arith.constant 0 : i32
    %dma_wait3A_364 = tpu.memref_slice %arg2[%dma_wait3A_362, %dma_wait3A_363] : memref<200x4096xi32, #tpu.memory_space<hbm>> -> memref<8x128xi32, #tpu.memory_space<hbm>>
    %dma_wait3A_365 = arith.constant 0 : i32
    %dma_wait3A_366 = arith.constant 0 : i32
    %dma_wait3A_367 = tpu.memref_slice %arg5[%dma_wait3A_365, %dma_wait3A_366] : memref<200x128xi32, #tpu.memory_space<vmem>> -> memref<8x128xi32, #tpu.memory_space<vmem>>
    %dma_wait3A_368 = arith.constant 0 : i32
    %dma_wait3A_369 = arith.constant 0 : i32
    %dma_wait3A_370 = tpu.memref_slice %arg2[%dma_wait3A_368, %dma_wait3A_369] : memref<200x4096xi32, #tpu.memory_space<hbm>> -> memref<8x128xi32, #tpu.memory_space<hbm>>
    tpu.wait_dma2 semaphore(%arg12 : memref<!tpu.dma_semaphore, #tpu.memory_space<semaphore_mem>>) src(%dma_wait3A_370 : memref<8x128xi32, #tpu.memory_space<hbm>>) dst(%dma_wait3A_367 : memref<8x128xi32, #tpu.memory_space<vmem>>)
    %dma_wait3A_371 = arith.constant 0 : i32
    %dma_wait3A_372 = arith.constant 0 : i32
    %dma_wait3A_373 = tpu.memref_slice %arg5[%dma_wait3A_371, %dma_wait3A_372] : memref<200x128xi32, #tpu.memory_space<vmem>> -> memref<8x128xi32, #tpu.memory_space<vmem>>
    %dma_wait3A_374 = arith.constant 0 : i32
    %dma_wait3A_375 = arith.constant 0 : i32
    %dma_wait3A_376 = tpu.memref_slice %arg2[%dma_wait3A_374, %dma_wait3A_375] : memref<200x4096xi32, #tpu.memory_space<hbm>> -> memref<8x128xi32, #tpu.memory_space<hbm>>
    %dma_wait3A_377 = arith.constant 0 : i32
    %dma_wait3A_378 = arith.constant 0 : i32
    %dma_wait3A_379 = tpu.memref_slice %arg5[%dma_wait3A_377, %dma_wait3A_378] : memref<200x128xi32, #tpu.memory_space<vmem>> -> memref<8x128xi32, #tpu.memory_space<vmem>>
    %dma_wait3A_380 = arith.constant 0 : i32
    %dma_wait3A_381 = arith.constant 0 : i32
    %dma_wait3A_382 = tpu.memref_slice %arg2[%dma_wait3A_380, %dma_wait3A_381] : memref<200x4096xi32, #tpu.memory_space<hbm>> -> memref<8x128xi32, #tpu.memory_space<hbm>>
    tpu.wait_dma2 semaphore(%arg12 : memref<!tpu.dma_semaphore, #tpu.memory_space<semaphore_mem>>) src(%dma_wait3A_382 : memref<8x128xi32, #tpu.memory_space<hbm>>) dst(%dma_wait3A_379 : memref<8x128xi32, #tpu.memory_space<vmem>>)
    %dma_wait3A_383 = arith.constant 0 : i32
    %dma_wait3A_384 = arith.constant 0 : i32
    %dma_wait3A_385 = tpu.memref_slice %arg5[%dma_wait3A_383, %dma_wait3A_384] : memref<200x128xi32, #tpu.memory_space<vmem>> -> memref<8x128xi32, #tpu.memory_space<vmem>>
    %dma_wait3A_386 = arith.constant 0 : i32
    %dma_wait3A_387 = arith.constant 0 : i32
    %dma_wait3A_388 = tpu.memref_slice %arg2[%dma_wait3A_386, %dma_wait3A_387] : memref<200x4096xi32, #tpu.memory_space<hbm>> -> memref<8x128xi32, #tpu.memory_space<hbm>>
    %dma_wait3A_389 = arith.constant 0 : i32
    %dma_wait3A_390 = arith.constant 0 : i32
    %dma_wait3A_391 = tpu.memref_slice %arg5[%dma_wait3A_389, %dma_wait3A_390] : memref<200x128xi32, #tpu.memory_space<vmem>> -> memref<8x128xi32, #tpu.memory_space<vmem>>
    %dma_wait3A_392 = arith.constant 0 : i32
    %dma_wait3A_393 = arith.constant 0 : i32
    %dma_wait3A_394 = tpu.memref_slice %arg2[%dma_wait3A_392, %dma_wait3A_393] : memref<200x4096xi32, #tpu.memory_space<hbm>> -> memref<8x128xi32, #tpu.memory_space<hbm>>
    tpu.wait_dma2 semaphore(%arg12 : memref<!tpu.dma_semaphore, #tpu.memory_space<semaphore_mem>>) src(%dma_wait3A_394 : memref<8x128xi32, #tpu.memory_space<hbm>>) dst(%dma_wait3A_391 : memref<8x128xi32, #tpu.memory_space<vmem>>)
    %dma_wait3A_395 = arith.constant 0 : i32
    %dma_wait3A_396 = arith.constant 0 : i32
    %dma_wait3A_397 = tpu.memref_slice %arg5[%dma_wait3A_395, %dma_wait3A_396] : memref<200x128xi32, #tpu.memory_space<vmem>> -> memref<8x128xi32, #tpu.memory_space<vmem>>
    %dma_wait3A_398 = arith.constant 0 : i32
    %dma_wait3A_399 = arith.constant 0 : i32
    %dma_wait3A_400 = tpu.memref_slice %arg2[%dma_wait3A_398, %dma_wait3A_399] : memref<200x4096xi32, #tpu.memory_space<hbm>> -> memref<8x128xi32, #tpu.memory_space<hbm>>
    %dma_wait3A_401 = arith.constant 0 : i32
    %dma_wait3A_402 = arith.constant 0 : i32
    %dma_wait3A_403 = tpu.memref_slice %arg5[%dma_wait3A_401, %dma_wait3A_402] : memref<200x128xi32, #tpu.memory_space<vmem>> -> memref<8x128xi32, #tpu.memory_space<vmem>>
    %dma_wait3A_404 = arith.constant 0 : i32
    %dma_wait3A_405 = arith.constant 0 : i32
    %dma_wait3A_406 = tpu.memref_slice %arg2[%dma_wait3A_404, %dma_wait3A_405] : memref<200x4096xi32, #tpu.memory_space<hbm>> -> memref<8x128xi32, #tpu.memory_space<hbm>>
    tpu.wait_dma2 semaphore(%arg12 : memref<!tpu.dma_semaphore, #tpu.memory_space<semaphore_mem>>) src(%dma_wait3A_406 : memref<8x128xi32, #tpu.memory_space<hbm>>) dst(%dma_wait3A_403 : memref<8x128xi32, #tpu.memory_space<vmem>>)
    %dma_wait3A_407 = arith.constant 0 : i32
    %dma_wait3A_408 = arith.constant 0 : i32
    %dma_wait3A_409 = tpu.memref_slice %arg5[%dma_wait3A_407, %dma_wait3A_408] : memref<200x128xi32, #tpu.memory_space<vmem>> -> memref<8x128xi32, #tpu.memory_space<vmem>>
    %dma_wait3A_410 = arith.constant 0 : i32
    %dma_wait3A_411 = arith.constant 0 : i32
    %dma_wait3A_412 = tpu.memref_slice %arg2[%dma_wait3A_410, %dma_wait3A_411] : memref<200x4096xi32, #tpu.memory_space<hbm>> -> memref<8x128xi32, #tpu.memory_space<hbm>>
    %dma_wait3A_413 = arith.constant 0 : i32
    %dma_wait3A_414 = arith.constant 0 : i32
    %dma_wait3A_415 = tpu.memref_slice %arg5[%dma_wait3A_413, %dma_wait3A_414] : memref<200x128xi32, #tpu.memory_space<vmem>> -> memref<8x128xi32, #tpu.memory_space<vmem>>
    %dma_wait3A_416 = arith.constant 0 : i32
    %dma_wait3A_417 = arith.constant 0 : i32
    %dma_wait3A_418 = tpu.memref_slice %arg2[%dma_wait3A_416, %dma_wait3A_417] : memref<200x4096xi32, #tpu.memory_space<hbm>> -> memref<8x128xi32, #tpu.memory_space<hbm>>
    tpu.wait_dma2 semaphore(%arg12 : memref<!tpu.dma_semaphore, #tpu.memory_space<semaphore_mem>>) src(%dma_wait3A_418 : memref<8x128xi32, #tpu.memory_space<hbm>>) dst(%dma_wait3A_415 : memref<8x128xi32, #tpu.memory_space<vmem>>)
    %dma_wait3A_419 = arith.constant 0 : i32
    %dma_wait3A_420 = arith.constant 0 : i32
    %dma_wait3A_421 = tpu.memref_slice %arg5[%dma_wait3A_419, %dma_wait3A_420] : memref<200x128xi32, #tpu.memory_space<vmem>> -> memref<8x128xi32, #tpu.memory_space<vmem>>
    %dma_wait3A_422 = arith.constant 0 : i32
    %dma_wait3A_423 = arith.constant 0 : i32
    %dma_wait3A_424 = tpu.memref_slice %arg2[%dma_wait3A_422, %dma_wait3A_423] : memref<200x4096xi32, #tpu.memory_space<hbm>> -> memref<8x128xi32, #tpu.memory_space<hbm>>
    %dma_wait3A_425 = arith.constant 0 : i32
    %dma_wait3A_426 = arith.constant 0 : i32
    %dma_wait3A_427 = tpu.memref_slice %arg5[%dma_wait3A_425, %dma_wait3A_426] : memref<200x128xi32, #tpu.memory_space<vmem>> -> memref<8x128xi32, #tpu.memory_space<vmem>>
    %dma_wait3A_428 = arith.constant 0 : i32
    %dma_wait3A_429 = arith.constant 0 : i32
    %dma_wait3A_430 = tpu.memref_slice %arg2[%dma_wait3A_428, %dma_wait3A_429] : memref<200x4096xi32, #tpu.memory_space<hbm>> -> memref<8x128xi32, #tpu.memory_space<hbm>>
    tpu.wait_dma2 semaphore(%arg12 : memref<!tpu.dma_semaphore, #tpu.memory_space<semaphore_mem>>) src(%dma_wait3A_430 : memref<8x128xi32, #tpu.memory_space<hbm>>) dst(%dma_wait3A_427 : memref<8x128xi32, #tpu.memory_space<vmem>>)
    %dma_wait3A_431 = arith.constant 0 : i32
    %dma_wait3A_432 = arith.constant 0 : i32
    %dma_wait3A_433 = tpu.memref_slice %arg5[%dma_wait3A_431, %dma_wait3A_432] : memref<200x128xi32, #tpu.memory_space<vmem>> -> memref<8x128xi32, #tpu.memory_space<vmem>>
    %dma_wait3A_434 = arith.constant 0 : i32
    %dma_wait3A_435 = arith.constant 0 : i32
    %dma_wait3A_436 = tpu.memref_slice %arg2[%dma_wait3A_434, %dma_wait3A_435] : memref<200x4096xi32, #tpu.memory_space<hbm>> -> memref<8x128xi32, #tpu.memory_space<hbm>>
    %dma_wait3A_437 = arith.constant 0 : i32
    %dma_wait3A_438 = arith.constant 0 : i32
    %dma_wait3A_439 = tpu.memref_slice %arg5[%dma_wait3A_437, %dma_wait3A_438] : memref<200x128xi32, #tpu.memory_space<vmem>> -> memref<8x128xi32, #tpu.memory_space<vmem>>
    %dma_wait3A_440 = arith.constant 0 : i32
    %dma_wait3A_441 = arith.constant 0 : i32
    %dma_wait3A_442 = tpu.memref_slice %arg2[%dma_wait3A_440, %dma_wait3A_441] : memref<200x4096xi32, #tpu.memory_space<hbm>> -> memref<8x128xi32, #tpu.memory_space<hbm>>
    tpu.wait_dma2 semaphore(%arg12 : memref<!tpu.dma_semaphore, #tpu.memory_space<semaphore_mem>>) src(%dma_wait3A_442 : memref<8x128xi32, #tpu.memory_space<hbm>>) dst(%dma_wait3A_439 : memref<8x128xi32, #tpu.memory_space<vmem>>)
    %dma_wait3A_443 = arith.constant 0 : i32
    %dma_wait3A_444 = arith.constant 0 : i32
    %dma_wait3A_445 = tpu.memref_slice %arg5[%dma_wait3A_443, %dma_wait3A_444] : memref<200x128xi32, #tpu.memory_space<vmem>> -> memref<8x128xi32, #tpu.memory_space<vmem>>
    %dma_wait3A_446 = arith.constant 0 : i32
    %dma_wait3A_447 = arith.constant 0 : i32
    %dma_wait3A_448 = tpu.memref_slice %arg2[%dma_wait3A_446, %dma_wait3A_447] : memref<200x4096xi32, #tpu.memory_space<hbm>> -> memref<8x128xi32, #tpu.memory_space<hbm>>
    %dma_wait3A_449 = arith.constant 0 : i32
    %dma_wait3A_450 = arith.constant 0 : i32
    %dma_wait3A_451 = tpu.memref_slice %arg5[%dma_wait3A_449, %dma_wait3A_450] : memref<200x128xi32, #tpu.memory_space<vmem>> -> memref<8x128xi32, #tpu.memory_space<vmem>>
    %dma_wait3A_452 = arith.constant 0 : i32
    %dma_wait3A_453 = arith.constant 0 : i32
    %dma_wait3A_454 = tpu.memref_slice %arg2[%dma_wait3A_452, %dma_wait3A_453] : memref<200x4096xi32, #tpu.memory_space<hbm>> -> memref<8x128xi32, #tpu.memory_space<hbm>>
    tpu.wait_dma2 semaphore(%arg12 : memref<!tpu.dma_semaphore, #tpu.memory_space<semaphore_mem>>) src(%dma_wait3A_454 : memref<8x128xi32, #tpu.memory_space<hbm>>) dst(%dma_wait3A_451 : memref<8x128xi32, #tpu.memory_space<vmem>>)
    %dma_wait3A_455 = arith.constant 0 : i32
    %dma_wait3A_456 = arith.constant 0 : i32
    %dma_wait3A_457 = tpu.memref_slice %arg5[%dma_wait3A_455, %dma_wait3A_456] : memref<200x128xi32, #tpu.memory_space<vmem>> -> memref<8x128xi32, #tpu.memory_space<vmem>>
    %dma_wait3A_458 = arith.constant 0 : i32
    %dma_wait3A_459 = arith.constant 0 : i32
    %dma_wait3A_460 = tpu.memref_slice %arg2[%dma_wait3A_458, %dma_wait3A_459] : memref<200x4096xi32, #tpu.memory_space<hbm>> -> memref<8x128xi32, #tpu.memory_space<hbm>>
    %dma_wait3A_461 = arith.constant 0 : i32
    %dma_wait3A_462 = arith.constant 0 : i32
    %dma_wait3A_463 = tpu.memref_slice %arg5[%dma_wait3A_461, %dma_wait3A_462] : memref<200x128xi32, #tpu.memory_space<vmem>> -> memref<8x128xi32, #tpu.memory_space<vmem>>
    %dma_wait3A_464 = arith.constant 0 : i32
    %dma_wait3A_465 = arith.constant 0 : i32
    %dma_wait3A_466 = tpu.memref_slice %arg2[%dma_wait3A_464, %dma_wait3A_465] : memref<200x4096xi32, #tpu.memory_space<hbm>> -> memref<8x128xi32, #tpu.memory_space<hbm>>
    tpu.wait_dma2 semaphore(%arg12 : memref<!tpu.dma_semaphore, #tpu.memory_space<semaphore_mem>>) src(%dma_wait3A_466 : memref<8x128xi32, #tpu.memory_space<hbm>>) dst(%dma_wait3A_463 : memref<8x128xi32, #tpu.memory_space<vmem>>)
    %dma_wait3A_467 = arith.constant 0 : i32
    %dma_wait3A_468 = arith.constant 0 : i32
    %dma_wait3A_469 = tpu.memref_slice %arg5[%dma_wait3A_467, %dma_wait3A_468] : memref<200x128xi32, #tpu.memory_space<vmem>> -> memref<8x128xi32, #tpu.memory_space<vmem>>
    %dma_wait3A_470 = arith.constant 0 : i32
    %dma_wait3A_471 = arith.constant 0 : i32
    %dma_wait3A_472 = tpu.memref_slice %arg2[%dma_wait3A_470, %dma_wait3A_471] : memref<200x4096xi32, #tpu.memory_space<hbm>> -> memref<8x128xi32, #tpu.memory_space<hbm>>
    %dma_wait3A_473 = arith.constant 0 : i32
    %dma_wait3A_474 = arith.constant 0 : i32
    %dma_wait3A_475 = tpu.memref_slice %arg5[%dma_wait3A_473, %dma_wait3A_474] : memref<200x128xi32, #tpu.memory_space<vmem>> -> memref<8x128xi32, #tpu.memory_space<vmem>>
    %dma_wait3A_476 = arith.constant 0 : i32
    %dma_wait3A_477 = arith.constant 0 : i32
    %dma_wait3A_478 = tpu.memref_slice %arg2[%dma_wait3A_476, %dma_wait3A_477] : memref<200x4096xi32, #tpu.memory_space<hbm>> -> memref<8x128xi32, #tpu.memory_space<hbm>>
    tpu.wait_dma2 semaphore(%arg12 : memref<!tpu.dma_semaphore, #tpu.memory_space<semaphore_mem>>) src(%dma_wait3A_478 : memref<8x128xi32, #tpu.memory_space<hbm>>) dst(%dma_wait3A_475 : memref<8x128xi32, #tpu.memory_space<vmem>>)
    %dma_wait3A_479 = arith.constant 0 : i32
    %dma_wait3A_480 = arith.constant 0 : i32
    %dma_wait3A_481 = tpu.memref_slice %arg5[%dma_wait3A_479, %dma_wait3A_480] : memref<200x128xi32, #tpu.memory_space<vmem>> -> memref<8x128xi32, #tpu.memory_space<vmem>>
    %dma_wait3A_482 = arith.constant 0 : i32
    %dma_wait3A_483 = arith.constant 0 : i32
    %dma_wait3A_484 = tpu.memref_slice %arg2[%dma_wait3A_482, %dma_wait3A_483] : memref<200x4096xi32, #tpu.memory_space<hbm>> -> memref<8x128xi32, #tpu.memory_space<hbm>>
    %dma_wait3A_485 = arith.constant 0 : i32
    %dma_wait3A_486 = arith.constant 0 : i32
    %dma_wait3A_487 = tpu.memref_slice %arg5[%dma_wait3A_485, %dma_wait3A_486] : memref<200x128xi32, #tpu.memory_space<vmem>> -> memref<8x128xi32, #tpu.memory_space<vmem>>
    %dma_wait3A_488 = arith.constant 0 : i32
    %dma_wait3A_489 = arith.constant 0 : i32
    %dma_wait3A_490 = tpu.memref_slice %arg2[%dma_wait3A_488, %dma_wait3A_489] : memref<200x4096xi32, #tpu.memory_space<hbm>> -> memref<8x128xi32, #tpu.memory_space<hbm>>
    tpu.wait_dma2 semaphore(%arg12 : memref<!tpu.dma_semaphore, #tpu.memory_space<semaphore_mem>>) src(%dma_wait3A_490 : memref<8x128xi32, #tpu.memory_space<hbm>>) dst(%dma_wait3A_487 : memref<8x128xi32, #tpu.memory_space<vmem>>)
    %dma_wait3A_491 = arith.constant 0 : i32
    %dma_wait3A_492 = arith.constant 0 : i32
    %dma_wait3A_493 = tpu.memref_slice %arg5[%dma_wait3A_491, %dma_wait3A_492] : memref<200x128xi32, #tpu.memory_space<vmem>> -> memref<8x128xi32, #tpu.memory_space<vmem>>
    %dma_wait3A_494 = arith.constant 0 : i32
    %dma_wait3A_495 = arith.constant 0 : i32
    %dma_wait3A_496 = tpu.memref_slice %arg2[%dma_wait3A_494, %dma_wait3A_495] : memref<200x4096xi32, #tpu.memory_space<hbm>> -> memref<8x128xi32, #tpu.memory_space<hbm>>
    %dma_wait3A_497 = arith.constant 0 : i32
    %dma_wait3A_498 = arith.constant 0 : i32
    %dma_wait3A_499 = tpu.memref_slice %arg5[%dma_wait3A_497, %dma_wait3A_498] : memref<200x128xi32, #tpu.memory_space<vmem>> -> memref<8x128xi32, #tpu.memory_space<vmem>>
    %dma_wait3A_500 = arith.constant 0 : i32
    %dma_wait3A_501 = arith.constant 0 : i32
    %dma_wait3A_502 = tpu.memref_slice %arg2[%dma_wait3A_500, %dma_wait3A_501] : memref<200x4096xi32, #tpu.memory_space<hbm>> -> memref<8x128xi32, #tpu.memory_space<hbm>>
    tpu.wait_dma2 semaphore(%arg12 : memref<!tpu.dma_semaphore, #tpu.memory_space<semaphore_mem>>) src(%dma_wait3A_502 : memref<8x128xi32, #tpu.memory_space<hbm>>) dst(%dma_wait3A_499 : memref<8x128xi32, #tpu.memory_space<vmem>>)
    %dma_wait3A_503 = arith.constant 0 : i32
    %dma_wait3A_504 = arith.constant 0 : i32
    %dma_wait3A_505 = tpu.memref_slice %arg5[%dma_wait3A_503, %dma_wait3A_504] : memref<200x128xi32, #tpu.memory_space<vmem>> -> memref<8x128xi32, #tpu.memory_space<vmem>>
    %dma_wait3A_506 = arith.constant 0 : i32
    %dma_wait3A_507 = arith.constant 0 : i32
    %dma_wait3A_508 = tpu.memref_slice %arg2[%dma_wait3A_506, %dma_wait3A_507] : memref<200x4096xi32, #tpu.memory_space<hbm>> -> memref<8x128xi32, #tpu.memory_space<hbm>>
    %dma_wait3A_509 = arith.constant 0 : i32
    %dma_wait3A_510 = arith.constant 0 : i32
    %dma_wait3A_511 = tpu.memref_slice %arg5[%dma_wait3A_509, %dma_wait3A_510] : memref<200x128xi32, #tpu.memory_space<vmem>> -> memref<8x128xi32, #tpu.memory_space<vmem>>
    %dma_wait3A_512 = arith.constant 0 : i32
    %dma_wait3A_513 = arith.constant 0 : i32
    %dma_wait3A_514 = tpu.memref_slice %arg2[%dma_wait3A_512, %dma_wait3A_513] : memref<200x4096xi32, #tpu.memory_space<hbm>> -> memref<8x128xi32, #tpu.memory_space<hbm>>
    tpu.wait_dma2 semaphore(%arg12 : memref<!tpu.dma_semaphore, #tpu.memory_space<semaphore_mem>>) src(%dma_wait3A_514 : memref<8x128xi32, #tpu.memory_space<hbm>>) dst(%dma_wait3A_511 : memref<8x128xi32, #tpu.memory_space<vmem>>)
    %dma_wait3A_515 = arith.constant 0 : i32
    %dma_wait3A_516 = arith.constant 0 : i32
    %dma_wait3A_517 = tpu.memref_slice %arg5[%dma_wait3A_515, %dma_wait3A_516] : memref<200x128xi32, #tpu.memory_space<vmem>> -> memref<8x128xi32, #tpu.memory_space<vmem>>
    %dma_wait3A_518 = arith.constant 0 : i32
    %dma_wait3A_519 = arith.constant 0 : i32
    %dma_wait3A_520 = tpu.memref_slice %arg2[%dma_wait3A_518, %dma_wait3A_519] : memref<200x4096xi32, #tpu.memory_space<hbm>> -> memref<8x128xi32, #tpu.memory_space<hbm>>
    %dma_wait3A_521 = arith.constant 0 : i32
    %dma_wait3A_522 = arith.constant 0 : i32
    %dma_wait3A_523 = tpu.memref_slice %arg5[%dma_wait3A_521, %dma_wait3A_522] : memref<200x128xi32, #tpu.memory_space<vmem>> -> memref<8x128xi32, #tpu.memory_space<vmem>>
    %dma_wait3A_524 = arith.constant 0 : i32
    %dma_wait3A_525 = arith.constant 0 : i32
    %dma_wait3A_526 = tpu.memref_slice %arg2[%dma_wait3A_524, %dma_wait3A_525] : memref<200x4096xi32, #tpu.memory_space<hbm>> -> memref<8x128xi32, #tpu.memory_space<hbm>>
    tpu.wait_dma2 semaphore(%arg12 : memref<!tpu.dma_semaphore, #tpu.memory_space<semaphore_mem>>) src(%dma_wait3A_526 : memref<8x128xi32, #tpu.memory_space<hbm>>) dst(%dma_wait3A_523 : memref<8x128xi32, #tpu.memory_space<vmem>>)
    %dma_wait3A_527 = arith.constant 0 : i32
    %dma_wait3A_528 = arith.constant 0 : i32
    %dma_wait3A_529 = tpu.memref_slice %arg5[%dma_wait3A_527, %dma_wait3A_528] : memref<200x128xi32, #tpu.memory_space<vmem>> -> memref<8x128xi32, #tpu.memory_space<vmem>>
    %dma_wait3A_530 = arith.constant 0 : i32
    %dma_wait3A_531 = arith.constant 0 : i32
    %dma_wait3A_532 = tpu.memref_slice %arg2[%dma_wait3A_530, %dma_wait3A_531] : memref<200x4096xi32, #tpu.memory_space<hbm>> -> memref<8x128xi32, #tpu.memory_space<hbm>>
    %dma_wait3A_533 = arith.constant 0 : i32
    %dma_wait3A_534 = arith.constant 0 : i32
    %dma_wait3A_535 = tpu.memref_slice %arg5[%dma_wait3A_533, %dma_wait3A_534] : memref<200x128xi32, #tpu.memory_space<vmem>> -> memref<8x128xi32, #tpu.memory_space<vmem>>
    %dma_wait3A_536 = arith.constant 0 : i32
    %dma_wait3A_537 = arith.constant 0 : i32
    %dma_wait3A_538 = tpu.memref_slice %arg2[%dma_wait3A_536, %dma_wait3A_537] : memref<200x4096xi32, #tpu.memory_space<hbm>> -> memref<8x128xi32, #tpu.memory_space<hbm>>
    tpu.wait_dma2 semaphore(%arg12 : memref<!tpu.dma_semaphore, #tpu.memory_space<semaphore_mem>>) src(%dma_wait3A_538 : memref<8x128xi32, #tpu.memory_space<hbm>>) dst(%dma_wait3A_535 : memref<8x128xi32, #tpu.memory_space<vmem>>)
    %dma_wait3A_539 = arith.constant 0 : i32
    %dma_wait3A_540 = arith.constant 0 : i32
    %dma_wait3A_541 = tpu.memref_slice %arg5[%dma_wait3A_539, %dma_wait3A_540] : memref<200x128xi32, #tpu.memory_space<vmem>> -> memref<8x128xi32, #tpu.memory_space<vmem>>
    %dma_wait3A_542 = arith.constant 0 : i32
    %dma_wait3A_543 = arith.constant 0 : i32
    %dma_wait3A_544 = tpu.memref_slice %arg2[%dma_wait3A_542, %dma_wait3A_543] : memref<200x4096xi32, #tpu.memory_space<hbm>> -> memref<8x128xi32, #tpu.memory_space<hbm>>
    %dma_wait3A_545 = arith.constant 0 : i32
    %dma_wait3A_546 = arith.constant 0 : i32
    %dma_wait3A_547 = tpu.memref_slice %arg5[%dma_wait3A_545, %dma_wait3A_546] : memref<200x128xi32, #tpu.memory_space<vmem>> -> memref<8x128xi32, #tpu.memory_space<vmem>>
    %dma_wait3A_548 = arith.constant 0 : i32
    %dma_wait3A_549 = arith.constant 0 : i32
    %dma_wait3A_550 = tpu.memref_slice %arg2[%dma_wait3A_548, %dma_wait3A_549] : memref<200x4096xi32, #tpu.memory_space<hbm>> -> memref<8x128xi32, #tpu.memory_space<hbm>>
    tpu.wait_dma2 semaphore(%arg12 : memref<!tpu.dma_semaphore, #tpu.memory_space<semaphore_mem>>) src(%dma_wait3A_550 : memref<8x128xi32, #tpu.memory_space<hbm>>) dst(%dma_wait3A_547 : memref<8x128xi32, #tpu.memory_space<vmem>>)
    %dma_start3A_551 = arith.constant 0 : i32
    %dma_start3A_552 = arith.constant 0 : i32
    %dma_start3A_553 = tpu.memref_slice %arg5[%dma_start3A_551, %dma_start3A_552] : memref<200x128xi32, #tpu.memory_space<vmem>> -> memref<1x128xi32, #tpu.memory_space<vmem>>
    %dma_start3A_554 = tpu.memref_squeeze %dma_start3A_553 : memref<1x128xi32, #tpu.memory_space<vmem>> -> memref<128xi32, #tpu.memory_space<vmem>>
    %dma_start3A_555 = arith.constant 0 : i32
    %dma_start3A_556 = arith.constant 0 : i32
    %dma_start3A_557 = tpu.memref_slice %arg3[%dma_start3A_555, %dma_start3A_556] : memref<1000000x128xf32, #tpu.memory_space<hbm>> -> memref<1000000x128xf32, #tpu.memory_space<hbm>>
    tpu.enqueue_indirect_dma source(%dma_start3A_557 : memref<1000000x128xf32, #tpu.memory_space<hbm>>) target(%arg6 : memref<128x128xf32, #tpu.memory_space<vmem>>) offsets(%dma_start3A_554 : memref<128xi32, #tpu.memory_space<vmem>>) semaphore(%arg13 : memref<!tpu.dma_semaphore, #tpu.memory_space<semaphore_mem>>)
    %dma_start3A_558 = arith.constant 1 : i32
    %dma_start3A_559 = arith.constant 0 : i32
    %dma_start3A_560 = tpu.memref_slice %arg5[%dma_start3A_558, %dma_start3A_559] : memref<200x128xi32, #tpu.memory_space<vmem>> -> memref<1x128xi32, #tpu.memory_space<vmem>>
    %dma_start3A_561 = tpu.memref_squeeze %dma_start3A_560 : memref<1x128xi32, #tpu.memory_space<vmem>> -> memref<128xi32, #tpu.memory_space<vmem>>
    %dma_start3A_562 = arith.constant 0 : i32
    %dma_start3A_563 = arith.constant 0 : i32
    %dma_start3A_564 = tpu.memref_slice %arg3[%dma_start3A_562, %dma_start3A_563] : memref<1000000x128xf32, #tpu.memory_space<hbm>> -> memref<1000000x128xf32, #tpu.memory_space<hbm>>
    tpu.enqueue_indirect_dma source(%dma_start3A_564 : memref<1000000x128xf32, #tpu.memory_space<hbm>>) target(%arg7 : memref<128x128xf32, #tpu.memory_space<vmem>>) offsets(%dma_start3A_561 : memref<128xi32, #tpu.memory_space<vmem>>) semaphore(%arg14 : memref<!tpu.dma_semaphore, #tpu.memory_space<semaphore_mem>>)
    %dma_start3A_565 = arith.constant 2 : i32
    %dma_start3A_566 = arith.constant 0 : i32
    %dma_start3A_567 = tpu.memref_slice %arg5[%dma_start3A_565, %dma_start3A_566] : memref<200x128xi32, #tpu.memory_space<vmem>> -> memref<1x128xi32, #tpu.memory_space<vmem>>
    %dma_start3A_568 = tpu.memref_squeeze %dma_start3A_567 : memref<1x128xi32, #tpu.memory_space<vmem>> -> memref<128xi32, #tpu.memory_space<vmem>>
    %dma_start3A_569 = arith.constant 0 : i32
    %dma_start3A_570 = arith.constant 0 : i32
    %dma_start3A_571 = tpu.memref_slice %arg3[%dma_start3A_569, %dma_start3A_570] : memref<1000000x128xf32, #tpu.memory_space<hbm>> -> memref<1000000x128xf32, #tpu.memory_space<hbm>>
    tpu.enqueue_indirect_dma source(%dma_start3A_571 : memref<1000000x128xf32, #tpu.memory_space<hbm>>) target(%arg8 : memref<128x128xf32, #tpu.memory_space<vmem>>) offsets(%dma_start3A_568 : memref<128xi32, #tpu.memory_space<vmem>>) semaphore(%arg15 : memref<!tpu.dma_semaphore, #tpu.memory_space<semaphore_mem>>)
    %dma_start3A_572 = arith.constant 3 : i32
    %dma_start3A_573 = arith.constant 0 : i32
    %dma_start3A_574 = tpu.memref_slice %arg5[%dma_start3A_572, %dma_start3A_573] : memref<200x128xi32, #tpu.memory_space<vmem>> -> memref<1x128xi32, #tpu.memory_space<vmem>>
    %dma_start3A_575 = tpu.memref_squeeze %dma_start3A_574 : memref<1x128xi32, #tpu.memory_space<vmem>> -> memref<128xi32, #tpu.memory_space<vmem>>
    %dma_start3A_576 = arith.constant 0 : i32
    %dma_start3A_577 = arith.constant 0 : i32
    %dma_start3A_578 = tpu.memref_slice %arg3[%dma_start3A_576, %dma_start3A_577] : memref<1000000x128xf32, #tpu.memory_space<hbm>> -> memref<1000000x128xf32, #tpu.memory_space<hbm>>
    tpu.enqueue_indirect_dma source(%dma_start3A_578 : memref<1000000x128xf32, #tpu.memory_space<hbm>>) target(%arg9 : memref<128x128xf32, #tpu.memory_space<vmem>>) offsets(%dma_start3A_575 : memref<128xi32, #tpu.memory_space<vmem>>) semaphore(%arg16 : memref<!tpu.dma_semaphore, #tpu.memory_space<semaphore_mem>>)
    %dma_start3A_579 = arith.constant 4 : i32
    %dma_start3A_580 = arith.constant 0 : i32
    %dma_start3A_581 = tpu.memref_slice %arg5[%dma_start3A_579, %dma_start3A_580] : memref<200x128xi32, #tpu.memory_space<vmem>> -> memref<1x128xi32, #tpu.memory_space<vmem>>
    %dma_start3A_582 = tpu.memref_squeeze %dma_start3A_581 : memref<1x128xi32, #tpu.memory_space<vmem>> -> memref<128xi32, #tpu.memory_space<vmem>>
    %dma_start3A_583 = arith.constant 0 : i32
    %dma_start3A_584 = arith.constant 0 : i32
    %dma_start3A_585 = tpu.memref_slice %arg3[%dma_start3A_583, %dma_start3A_584] : memref<1000000x128xf32, #tpu.memory_space<hbm>> -> memref<1000000x128xf32, #tpu.memory_space<hbm>>
    tpu.enqueue_indirect_dma source(%dma_start3A_585 : memref<1000000x128xf32, #tpu.memory_space<hbm>>) target(%arg10 : memref<128x128xf32, #tpu.memory_space<vmem>>) offsets(%dma_start3A_582 : memref<128xi32, #tpu.memory_space<vmem>>) semaphore(%arg17 : memref<!tpu.dma_semaphore, #tpu.memory_space<semaphore_mem>>)
    %dma_start3A_586 = arith.constant 5 : i32
    %dma_start3A_587 = arith.constant 0 : i32
    %dma_start3A_588 = tpu.memref_slice %arg5[%dma_start3A_586, %dma_start3A_587] : memref<200x128xi32, #tpu.memory_space<vmem>> -> memref<1x128xi32, #tpu.memory_space<vmem>>
    %dma_start3A_589 = tpu.memref_squeeze %dma_start3A_588 : memref<1x128xi32, #tpu.memory_space<vmem>> -> memref<128xi32, #tpu.memory_space<vmem>>
    %dma_start3A_590 = arith.constant 0 : i32
    %dma_start3A_591 = arith.constant 0 : i32
    %dma_start3A_592 = tpu.memref_slice %arg3[%dma_start3A_590, %dma_start3A_591] : memref<1000000x128xf32, #tpu.memory_space<hbm>> -> memref<1000000x128xf32, #tpu.memory_space<hbm>>
    tpu.enqueue_indirect_dma source(%dma_start3A_592 : memref<1000000x128xf32, #tpu.memory_space<hbm>>) target(%arg11 : memref<128x128xf32, #tpu.memory_space<vmem>>) offsets(%dma_start3A_589 : memref<128xi32, #tpu.memory_space<vmem>>) semaphore(%arg18 : memref<!tpu.dma_semaphore, #tpu.memory_space<semaphore_mem>>)
    %dma_wait3A_593 = arith.constant 0 : i32
    %dma_wait3A_594 = arith.constant 0 : i32
    %dma_wait3A_595 = tpu.memref_slice %arg5[%dma_wait3A_593, %dma_wait3A_594] : memref<200x128xi32, #tpu.memory_space<vmem>> -> memref<1x128xi32, #tpu.memory_space<vmem>>
    %dma_wait3A_596 = tpu.memref_squeeze %dma_wait3A_595 : memref<1x128xi32, #tpu.memory_space<vmem>> -> memref<128xi32, #tpu.memory_space<vmem>>
    %dma_wait3A_597 = arith.constant 0 : i32
    %dma_wait3A_598 = arith.constant 0 : i32
    %dma_wait3A_599 = tpu.memref_slice %arg3[%dma_wait3A_597, %dma_wait3A_598] : memref<1000000x128xf32, #tpu.memory_space<hbm>> -> memref<1000000x128xf32, #tpu.memory_space<hbm>>
    tpu.wait_indirect_dma semaphore(%arg13 : memref<!tpu.dma_semaphore, #tpu.memory_space<semaphore_mem>>) src(%dma_wait3A_599 : memref<1000000x128xf32, #tpu.memory_space<hbm>>) dst(%arg6 : memref<128x128xf32, #tpu.memory_space<vmem>>)
    %dma_start3A_600 = arith.constant 0 : i32
    %dma_start3A_601 = arith.constant 0 : i32
    %dma_start3A_602 = tpu.memref_slice %arg4[%dma_start3A_600, %mul3A_2, %dma_start3A_601] : memref<200x4096x128xf32, #tpu.memory_space<hbm>> -> memref<1x128x128xf32, #tpu.memory_space<hbm>>
    %dma_start3A_603 = tpu.memref_squeeze %dma_start3A_602 : memref<1x128x128xf32, #tpu.memory_space<hbm>> -> memref<128x128xf32, #tpu.memory_space<hbm>>
    %dma_start3A_604 = arith.constant 0 : i32
    %dma_start3A_605 = tpu.memref_slice %arg4[%dma_start3A_600, %mul3A_2, %dma_start3A_604] : memref<200x4096x128xf32, #tpu.memory_space<hbm>> -> memref<1x128x128xf32, #tpu.memory_space<hbm>>
    %dma_start3A_606 = tpu.memref_squeeze %dma_start3A_605 : memref<1x128x128xf32, #tpu.memory_space<hbm>> -> memref<128x128xf32, #tpu.memory_space<hbm>>
    tpu.enqueue_dma source(%arg6 : memref<128x128xf32, #tpu.memory_space<vmem>>) target(%dma_start3A_606 : memref<128x128xf32, #tpu.memory_space<hbm>>) target_semaphore(%arg19 : memref<!tpu.dma_semaphore, #tpu.memory_space<semaphore_mem>>)
    %dma_wait3A_607 = arith.constant 0 : i32
    %dma_wait3A_608 = arith.constant 0 : i32
    %dma_wait3A_609 = tpu.memref_slice %arg5[%dma_wait3A_607, %dma_wait3A_608] : memref<200x128xi32, #tpu.memory_space<vmem>> -> memref<1x128xi32, #tpu.memory_space<vmem>>
    %dma_wait3A_610 = tpu.memref_squeeze %dma_wait3A_609 : memref<1x128xi32, #tpu.memory_space<vmem>> -> memref<128xi32, #tpu.memory_space<vmem>>
    %dma_wait3A_611 = arith.constant 0 : i32
    %dma_wait3A_612 = arith.constant 0 : i32
    %dma_wait3A_613 = tpu.memref_slice %arg3[%dma_wait3A_611, %dma_wait3A_612] : memref<1000000x128xf32, #tpu.memory_space<hbm>> -> memref<1000000x128xf32, #tpu.memory_space<hbm>>
    tpu.wait_indirect_dma semaphore(%arg14 : memref<!tpu.dma_semaphore, #tpu.memory_space<semaphore_mem>>) src(%dma_wait3A_613 : memref<1000000x128xf32, #tpu.memory_space<hbm>>) dst(%arg7 : memref<128x128xf32, #tpu.memory_space<vmem>>)
    %dma_start3A_614 = arith.constant 1 : i32
    %dma_start3A_615 = arith.constant 0 : i32
    %dma_start3A_616 = tpu.memref_slice %arg4[%dma_start3A_614, %mul3A_2, %dma_start3A_615] : memref<200x4096x128xf32, #tpu.memory_space<hbm>> -> memref<1x128x128xf32, #tpu.memory_space<hbm>>
    %dma_start3A_617 = tpu.memref_squeeze %dma_start3A_616 : memref<1x128x128xf32, #tpu.memory_space<hbm>> -> memref<128x128xf32, #tpu.memory_space<hbm>>
    %dma_start3A_618 = arith.constant 0 : i32
    %dma_start3A_619 = tpu.memref_slice %arg4[%dma_start3A_614, %mul3A_2, %dma_start3A_618] : memref<200x4096x128xf32, #tpu.memory_space<hbm>> -> memref<1x128x128xf32, #tpu.memory_space<hbm>>
    %dma_start3A_620 = tpu.memref_squeeze %dma_start3A_619 : memref<1x128x128xf32, #tpu.memory_space<hbm>> -> memref<128x128xf32, #tpu.memory_space<hbm>>
    tpu.enqueue_dma source(%arg7 : memref<128x128xf32, #tpu.memory_space<vmem>>) target(%dma_start3A_620 : memref<128x128xf32, #tpu.memory_space<hbm>>) target_semaphore(%arg20 : memref<!tpu.dma_semaphore, #tpu.memory_space<semaphore_mem>>)
    %dma_wait3A_621 = arith.constant 0 : i32
    %dma_wait3A_622 = arith.constant 0 : i32
    %dma_wait3A_623 = tpu.memref_slice %arg5[%dma_wait3A_621, %dma_wait3A_622] : memref<200x128xi32, #tpu.memory_space<vmem>> -> memref<1x128xi32, #tpu.memory_space<vmem>>
    %dma_wait3A_624 = tpu.memref_squeeze %dma_wait3A_623 : memref<1x128xi32, #tpu.memory_space<vmem>> -> memref<128xi32, #tpu.memory_space<vmem>>
    %dma_wait3A_625 = arith.constant 0 : i32
    %dma_wait3A_626 = arith.constant 0 : i32
    %dma_wait3A_627 = tpu.memref_slice %arg3[%dma_wait3A_625, %dma_wait3A_626] : memref<1000000x128xf32, #tpu.memory_space<hbm>> -> memref<1000000x128xf32, #tpu.memory_space<hbm>>
    tpu.wait_indirect_dma semaphore(%arg15 : memref<!tpu.dma_semaphore, #tpu.memory_space<semaphore_mem>>) src(%dma_wait3A_627 : memref<1000000x128xf32, #tpu.memory_space<hbm>>) dst(%arg8 : memref<128x128xf32, #tpu.memory_space<vmem>>)
    %dma_start3A_628 = arith.constant 2 : i32
    %dma_start3A_629 = arith.constant 0 : i32
    %dma_start3A_630 = tpu.memref_slice %arg4[%dma_start3A_628, %mul3A_2, %dma_start3A_629] : memref<200x4096x128xf32, #tpu.memory_space<hbm>> -> memref<1x128x128xf32, #tpu.memory_space<hbm>>
    %dma_start3A_631 = tpu.memref_squeeze %dma_start3A_630 : memref<1x128x128xf32, #tpu.memory_space<hbm>> -> memref<128x128xf32, #tpu.memory_space<hbm>>
    %dma_start3A_632 = arith.constant 0 : i32
    %dma_start3A_633 = tpu.memref_slice %arg4[%dma_start3A_628, %mul3A_2, %dma_start3A_632] : memref<200x4096x128xf32, #tpu.memory_space<hbm>> -> memref<1x128x128xf32, #tpu.memory_space<hbm>>
    %dma_start3A_634 = tpu.memref_squeeze %dma_start3A_633 : memref<1x128x128xf32, #tpu.memory_space<hbm>> -> memref<128x128xf32, #tpu.memory_space<hbm>>
    tpu.enqueue_dma source(%arg8 : memref<128x128xf32, #tpu.memory_space<vmem>>) target(%dma_start3A_634 : memref<128x128xf32, #tpu.memory_space<hbm>>) target_semaphore(%arg21 : memref<!tpu.dma_semaphore, #tpu.memory_space<semaphore_mem>>)
    %scan3A = arith.constant 0 : i32
    %scan3A_635 = arith.constant 32 : i32
    %scan3A_636 = arith.addi %scan3A, %scan3A_635 : i32
    %scan3A_637 = arith.constant 1 : i32
    scf.for %scan3A_795 = %scan3A to %scan3A_636 step %scan3A_637  : i32 {
      %mul3A_796 = arith.constant 6 : i32
      %mul3A_797 = arith.muli %scan3A_795, %mul3A_796 : i32
      %add3A_798 = arith.constant 3 : i32
      %add3A_799 = arith.addi %add3A_798, %mul3A_797 : i32
      %add3A_800 = arith.constant 0 : i32
      %add3A_801 = arith.addi %add3A_799, %add3A_800 : i32
      %dma_wait3A_802 = arith.constant 0 : i32
      %dma_wait3A_803 = arith.constant 0 : i32
      %dma_wait3A_804 = tpu.memref_slice %arg5[%dma_wait3A_802, %dma_wait3A_803] : memref<200x128xi32, #tpu.memory_space<vmem>> -> memref<1x128xi32, #tpu.memory_space<vmem>>
      %dma_wait3A_805 = tpu.memref_squeeze %dma_wait3A_804 : memref<1x128xi32, #tpu.memory_space<vmem>> -> memref<128xi32, #tpu.memory_space<vmem>>
      %dma_wait3A_806 = arith.constant 0 : i32
      %dma_wait3A_807 = arith.constant 0 : i32
      %dma_wait3A_808 = tpu.memref_slice %arg3[%dma_wait3A_806, %dma_wait3A_807] : memref<1000000x128xf32, #tpu.memory_space<hbm>> -> memref<1000000x128xf32, #tpu.memory_space<hbm>>
      tpu.wait_indirect_dma semaphore(%arg16 : memref<!tpu.dma_semaphore, #tpu.memory_space<semaphore_mem>>) src(%dma_wait3A_808 : memref<1000000x128xf32, #tpu.memory_space<hbm>>) dst(%arg9 : memref<128x128xf32, #tpu.memory_space<vmem>>)
      %dma_start3A_809 = arith.constant 0 : i32
      %dma_start3A_810 = tpu.memref_slice %arg4[%add3A_801, %mul3A_2, %dma_start3A_809] : memref<200x4096x128xf32, #tpu.memory_space<hbm>> -> memref<1x128x128xf32, #tpu.memory_space<hbm>>
      %dma_start3A_811 = tpu.memref_squeeze %dma_start3A_810 : memref<1x128x128xf32, #tpu.memory_space<hbm>> -> memref<128x128xf32, #tpu.memory_space<hbm>>
      %dma_start3A_812 = arith.constant 0 : i32
      %dma_start3A_813 = tpu.memref_slice %arg4[%add3A_801, %mul3A_2, %dma_start3A_812] : memref<200x4096x128xf32, #tpu.memory_space<hbm>> -> memref<1x128x128xf32, #tpu.memory_space<hbm>>
      %dma_start3A_814 = tpu.memref_squeeze %dma_start3A_813 : memref<1x128x128xf32, #tpu.memory_space<hbm>> -> memref<128x128xf32, #tpu.memory_space<hbm>>
      tpu.enqueue_dma source(%arg9 : memref<128x128xf32, #tpu.memory_space<vmem>>) target(%dma_start3A_814 : memref<128x128xf32, #tpu.memory_space<hbm>>) target_semaphore(%arg22 : memref<!tpu.dma_semaphore, #tpu.memory_space<semaphore_mem>>)
      %dma_wait3A_815 = arith.constant 0 : i32
      %dma_wait3A_816 = arith.constant 0 : i32
      %dma_wait3A_817 = arith.constant 0 : i32
      %dma_wait3A_818 = tpu.memref_slice %arg4[%dma_wait3A_815, %dma_wait3A_816, %dma_wait3A_817] : memref<200x4096x128xf32, #tpu.memory_space<hbm>> -> memref<1x128x128xf32, #tpu.memory_space<hbm>>
      %dma_wait3A_819 = tpu.memref_squeeze %dma_wait3A_818 : memref<1x128x128xf32, #tpu.memory_space<hbm>> -> memref<128x128xf32, #tpu.memory_space<hbm>>
      %dma_wait3A_820 = arith.constant 0 : i32
      %dma_wait3A_821 = arith.constant 0 : i32
      %dma_wait3A_822 = tpu.memref_slice %arg4[%dma_wait3A_815, %dma_wait3A_820, %dma_wait3A_821] : memref<200x4096x128xf32, #tpu.memory_space<hbm>> -> memref<1x128x128xf32, #tpu.memory_space<hbm>>
      %dma_wait3A_823 = tpu.memref_squeeze %dma_wait3A_822 : memref<1x128x128xf32, #tpu.memory_space<hbm>> -> memref<128x128xf32, #tpu.memory_space<hbm>>
      tpu.wait_dma2 semaphore(%arg19 : memref<!tpu.dma_semaphore, #tpu.memory_space<semaphore_mem>>) src(%arg6 : memref<128x128xf32, #tpu.memory_space<vmem>>) dst(%dma_wait3A_823 : memref<128x128xf32, #tpu.memory_space<hbm>>)
      %add3A_824 = arith.constant 3 : i32
      %add3A_825 = arith.addi %add3A_801, %add3A_824 : i32
      %dma_start3A_826 = arith.constant 0 : i32
      %dma_start3A_827 = tpu.memref_slice %arg5[%add3A_825, %dma_start3A_826] : memref<200x128xi32, #tpu.memory_space<vmem>> -> memref<1x128xi32, #tpu.memory_space<vmem>>
      %dma_start3A_828 = tpu.memref_squeeze %dma_start3A_827 : memref<1x128xi32, #tpu.memory_space<vmem>> -> memref<128xi32, #tpu.memory_space<vmem>>
      %dma_start3A_829 = arith.constant 0 : i32
      %dma_start3A_830 = arith.constant 0 : i32
      %dma_start3A_831 = tpu.memref_slice %arg3[%dma_start3A_829, %dma_start3A_830] : memref<1000000x128xf32, #tpu.memory_space<hbm>> -> memref<1000000x128xf32, #tpu.memory_space<hbm>>
      tpu.enqueue_indirect_dma source(%dma_start3A_831 : memref<1000000x128xf32, #tpu.memory_space<hbm>>) target(%arg6 : memref<128x128xf32, #tpu.memory_space<vmem>>) offsets(%dma_start3A_828 : memref<128xi32, #tpu.memory_space<vmem>>) semaphore(%arg13 : memref<!tpu.dma_semaphore, #tpu.memory_space<semaphore_mem>>)
      %add3A_832 = arith.constant 1 : i32
      %add3A_833 = arith.addi %add3A_799, %add3A_832 : i32
      %dma_wait3A_834 = arith.constant 0 : i32
      %dma_wait3A_835 = arith.constant 0 : i32
      %dma_wait3A_836 = tpu.memref_slice %arg5[%dma_wait3A_834, %dma_wait3A_835] : memref<200x128xi32, #tpu.memory_space<vmem>> -> memref<1x128xi32, #tpu.memory_space<vmem>>
      %dma_wait3A_837 = tpu.memref_squeeze %dma_wait3A_836 : memref<1x128xi32, #tpu.memory_space<vmem>> -> memref<128xi32, #tpu.memory_space<vmem>>
      %dma_wait3A_838 = arith.constant 0 : i32
      %dma_wait3A_839 = arith.constant 0 : i32
      %dma_wait3A_840 = tpu.memref_slice %arg3[%dma_wait3A_838, %dma_wait3A_839] : memref<1000000x128xf32, #tpu.memory_space<hbm>> -> memref<1000000x128xf32, #tpu.memory_space<hbm>>
      tpu.wait_indirect_dma semaphore(%arg17 : memref<!tpu.dma_semaphore, #tpu.memory_space<semaphore_mem>>) src(%dma_wait3A_840 : memref<1000000x128xf32, #tpu.memory_space<hbm>>) dst(%arg10 : memref<128x128xf32, #tpu.memory_space<vmem>>)
      %dma_start3A_841 = arith.constant 0 : i32
      %dma_start3A_842 = tpu.memref_slice %arg4[%add3A_833, %mul3A_2, %dma_start3A_841] : memref<200x4096x128xf32, #tpu.memory_space<hbm>> -> memref<1x128x128xf32, #tpu.memory_space<hbm>>
      %dma_start3A_843 = tpu.memref_squeeze %dma_start3A_842 : memref<1x128x128xf32, #tpu.memory_space<hbm>> -> memref<128x128xf32, #tpu.memory_space<hbm>>
      %dma_start3A_844 = arith.constant 0 : i32
      %dma_start3A_845 = tpu.memref_slice %arg4[%add3A_833, %mul3A_2, %dma_start3A_844] : memref<200x4096x128xf32, #tpu.memory_space<hbm>> -> memref<1x128x128xf32, #tpu.memory_space<hbm>>
      %dma_start3A_846 = tpu.memref_squeeze %dma_start3A_845 : memref<1x128x128xf32, #tpu.memory_space<hbm>> -> memref<128x128xf32, #tpu.memory_space<hbm>>
      tpu.enqueue_dma source(%arg10 : memref<128x128xf32, #tpu.memory_space<vmem>>) target(%dma_start3A_846 : memref<128x128xf32, #tpu.memory_space<hbm>>) target_semaphore(%arg23 : memref<!tpu.dma_semaphore, #tpu.memory_space<semaphore_mem>>)
      %dma_wait3A_847 = arith.constant 0 : i32
      %dma_wait3A_848 = arith.constant 0 : i32
      %dma_wait3A_849 = arith.constant 0 : i32
      %dma_wait3A_850 = tpu.memref_slice %arg4[%dma_wait3A_847, %dma_wait3A_848, %dma_wait3A_849] : memref<200x4096x128xf32, #tpu.memory_space<hbm>> -> memref<1x128x128xf32, #tpu.memory_space<hbm>>
      %dma_wait3A_851 = tpu.memref_squeeze %dma_wait3A_850 : memref<1x128x128xf32, #tpu.memory_space<hbm>> -> memref<128x128xf32, #tpu.memory_space<hbm>>
      %dma_wait3A_852 = arith.constant 0 : i32
      %dma_wait3A_853 = arith.constant 0 : i32
      %dma_wait3A_854 = tpu.memref_slice %arg4[%dma_wait3A_847, %dma_wait3A_852, %dma_wait3A_853] : memref<200x4096x128xf32, #tpu.memory_space<hbm>> -> memref<1x128x128xf32, #tpu.memory_space<hbm>>
      %dma_wait3A_855 = tpu.memref_squeeze %dma_wait3A_854 : memref<1x128x128xf32, #tpu.memory_space<hbm>> -> memref<128x128xf32, #tpu.memory_space<hbm>>
      tpu.wait_dma2 semaphore(%arg20 : memref<!tpu.dma_semaphore, #tpu.memory_space<semaphore_mem>>) src(%arg7 : memref<128x128xf32, #tpu.memory_space<vmem>>) dst(%dma_wait3A_855 : memref<128x128xf32, #tpu.memory_space<hbm>>)
      %add3A_856 = arith.constant 3 : i32
      %add3A_857 = arith.addi %add3A_833, %add3A_856 : i32
      %dma_start3A_858 = arith.constant 0 : i32
      %dma_start3A_859 = tpu.memref_slice %arg5[%add3A_857, %dma_start3A_858] : memref<200x128xi32, #tpu.memory_space<vmem>> -> memref<1x128xi32, #tpu.memory_space<vmem>>
      %dma_start3A_860 = tpu.memref_squeeze %dma_start3A_859 : memref<1x128xi32, #tpu.memory_space<vmem>> -> memref<128xi32, #tpu.memory_space<vmem>>
      %dma_start3A_861 = arith.constant 0 : i32
      %dma_start3A_862 = arith.constant 0 : i32
      %dma_start3A_863 = tpu.memref_slice %arg3[%dma_start3A_861, %dma_start3A_862] : memref<1000000x128xf32, #tpu.memory_space<hbm>> -> memref<1000000x128xf32, #tpu.memory_space<hbm>>
      tpu.enqueue_indirect_dma source(%dma_start3A_863 : memref<1000000x128xf32, #tpu.memory_space<hbm>>) target(%arg7 : memref<128x128xf32, #tpu.memory_space<vmem>>) offsets(%dma_start3A_860 : memref<128xi32, #tpu.memory_space<vmem>>) semaphore(%arg14 : memref<!tpu.dma_semaphore, #tpu.memory_space<semaphore_mem>>)
      %add3A_864 = arith.constant 2 : i32
      %add3A_865 = arith.addi %add3A_799, %add3A_864 : i32
      %dma_wait3A_866 = arith.constant 0 : i32
      %dma_wait3A_867 = arith.constant 0 : i32
      %dma_wait3A_868 = tpu.memref_slice %arg5[%dma_wait3A_866, %dma_wait3A_867] : memref<200x128xi32, #tpu.memory_space<vmem>> -> memref<1x128xi32, #tpu.memory_space<vmem>>
      %dma_wait3A_869 = tpu.memref_squeeze %dma_wait3A_868 : memref<1x128xi32, #tpu.memory_space<vmem>> -> memref<128xi32, #tpu.memory_space<vmem>>
      %dma_wait3A_870 = arith.constant 0 : i32
      %dma_wait3A_871 = arith.constant 0 : i32
      %dma_wait3A_872 = tpu.memref_slice %arg3[%dma_wait3A_870, %dma_wait3A_871] : memref<1000000x128xf32, #tpu.memory_space<hbm>> -> memref<1000000x128xf32, #tpu.memory_space<hbm>>
      tpu.wait_indirect_dma semaphore(%arg18 : memref<!tpu.dma_semaphore, #tpu.memory_space<semaphore_mem>>) src(%dma_wait3A_872 : memref<1000000x128xf32, #tpu.memory_space<hbm>>) dst(%arg11 : memref<128x128xf32, #tpu.memory_space<vmem>>)
      %dma_start3A_873 = arith.constant 0 : i32
      %dma_start3A_874 = tpu.memref_slice %arg4[%add3A_865, %mul3A_2, %dma_start3A_873] : memref<200x4096x128xf32, #tpu.memory_space<hbm>> -> memref<1x128x128xf32, #tpu.memory_space<hbm>>
      %dma_start3A_875 = tpu.memref_squeeze %dma_start3A_874 : memref<1x128x128xf32, #tpu.memory_space<hbm>> -> memref<128x128xf32, #tpu.memory_space<hbm>>
      %dma_start3A_876 = arith.constant 0 : i32
      %dma_start3A_877 = tpu.memref_slice %arg4[%add3A_865, %mul3A_2, %dma_start3A_876] : memref<200x4096x128xf32, #tpu.memory_space<hbm>> -> memref<1x128x128xf32, #tpu.memory_space<hbm>>
      %dma_start3A_878 = tpu.memref_squeeze %dma_start3A_877 : memref<1x128x128xf32, #tpu.memory_space<hbm>> -> memref<128x128xf32, #tpu.memory_space<hbm>>
      tpu.enqueue_dma source(%arg11 : memref<128x128xf32, #tpu.memory_space<vmem>>) target(%dma_start3A_878 : memref<128x128xf32, #tpu.memory_space<hbm>>) target_semaphore(%arg24 : memref<!tpu.dma_semaphore, #tpu.memory_space<semaphore_mem>>)
      %dma_wait3A_879 = arith.constant 0 : i32
      %dma_wait3A_880 = arith.constant 0 : i32
      %dma_wait3A_881 = arith.constant 0 : i32
      %dma_wait3A_882 = tpu.memref_slice %arg4[%dma_wait3A_879, %dma_wait3A_880, %dma_wait3A_881] : memref<200x4096x128xf32, #tpu.memory_space<hbm>> -> memref<1x128x128xf32, #tpu.memory_space<hbm>>
      %dma_wait3A_883 = tpu.memref_squeeze %dma_wait3A_882 : memref<1x128x128xf32, #tpu.memory_space<hbm>> -> memref<128x128xf32, #tpu.memory_space<hbm>>
      %dma_wait3A_884 = arith.constant 0 : i32
      %dma_wait3A_885 = arith.constant 0 : i32
      %dma_wait3A_886 = tpu.memref_slice %arg4[%dma_wait3A_879, %dma_wait3A_884, %dma_wait3A_885] : memref<200x4096x128xf32, #tpu.memory_space<hbm>> -> memref<1x128x128xf32, #tpu.memory_space<hbm>>
      %dma_wait3A_887 = tpu.memref_squeeze %dma_wait3A_886 : memref<1x128x128xf32, #tpu.memory_space<hbm>> -> memref<128x128xf32, #tpu.memory_space<hbm>>
      tpu.wait_dma2 semaphore(%arg21 : memref<!tpu.dma_semaphore, #tpu.memory_space<semaphore_mem>>) src(%arg8 : memref<128x128xf32, #tpu.memory_space<vmem>>) dst(%dma_wait3A_887 : memref<128x128xf32, #tpu.memory_space<hbm>>)
      %add3A_888 = arith.constant 3 : i32
      %add3A_889 = arith.addi %add3A_865, %add3A_888 : i32
      %dma_start3A_890 = arith.constant 0 : i32
      %dma_start3A_891 = tpu.memref_slice %arg5[%add3A_889, %dma_start3A_890] : memref<200x128xi32, #tpu.memory_space<vmem>> -> memref<1x128xi32, #tpu.memory_space<vmem>>
      %dma_start3A_892 = tpu.memref_squeeze %dma_start3A_891 : memref<1x128xi32, #tpu.memory_space<vmem>> -> memref<128xi32, #tpu.memory_space<vmem>>
      %dma_start3A_893 = arith.constant 0 : i32
      %dma_start3A_894 = arith.constant 0 : i32
      %dma_start3A_895 = tpu.memref_slice %arg3[%dma_start3A_893, %dma_start3A_894] : memref<1000000x128xf32, #tpu.memory_space<hbm>> -> memref<1000000x128xf32, #tpu.memory_space<hbm>>
      tpu.enqueue_indirect_dma source(%dma_start3A_895 : memref<1000000x128xf32, #tpu.memory_space<hbm>>) target(%arg8 : memref<128x128xf32, #tpu.memory_space<vmem>>) offsets(%dma_start3A_892 : memref<128xi32, #tpu.memory_space<vmem>>) semaphore(%arg15 : memref<!tpu.dma_semaphore, #tpu.memory_space<semaphore_mem>>)
      %add3A_896 = arith.constant 3 : i32
      %add3A_897 = arith.addi %add3A_799, %add3A_896 : i32
      %dma_wait3A_898 = arith.constant 0 : i32
      %dma_wait3A_899 = arith.constant 0 : i32
      %dma_wait3A_900 = tpu.memref_slice %arg5[%dma_wait3A_898, %dma_wait3A_899] : memref<200x128xi32, #tpu.memory_space<vmem>> -> memref<1x128xi32, #tpu.memory_space<vmem>>
      %dma_wait3A_901 = tpu.memref_squeeze %dma_wait3A_900 : memref<1x128xi32, #tpu.memory_space<vmem>> -> memref<128xi32, #tpu.memory_space<vmem>>
      %dma_wait3A_902 = arith.constant 0 : i32
      %dma_wait3A_903 = arith.constant 0 : i32
      %dma_wait3A_904 = tpu.memref_slice %arg3[%dma_wait3A_902, %dma_wait3A_903] : memref<1000000x128xf32, #tpu.memory_space<hbm>> -> memref<1000000x128xf32, #tpu.memory_space<hbm>>
      tpu.wait_indirect_dma semaphore(%arg13 : memref<!tpu.dma_semaphore, #tpu.memory_space<semaphore_mem>>) src(%dma_wait3A_904 : memref<1000000x128xf32, #tpu.memory_space<hbm>>) dst(%arg6 : memref<128x128xf32, #tpu.memory_space<vmem>>)
      %dma_start3A_905 = arith.constant 0 : i32
      %dma_start3A_906 = tpu.memref_slice %arg4[%add3A_897, %mul3A_2, %dma_start3A_905] : memref<200x4096x128xf32, #tpu.memory_space<hbm>> -> memref<1x128x128xf32, #tpu.memory_space<hbm>>
      %dma_start3A_907 = tpu.memref_squeeze %dma_start3A_906 : memref<1x128x128xf32, #tpu.memory_space<hbm>> -> memref<128x128xf32, #tpu.memory_space<hbm>>
      %dma_start3A_908 = arith.constant 0 : i32
      %dma_start3A_909 = tpu.memref_slice %arg4[%add3A_897, %mul3A_2, %dma_start3A_908] : memref<200x4096x128xf32, #tpu.memory_space<hbm>> -> memref<1x128x128xf32, #tpu.memory_space<hbm>>
      %dma_start3A_910 = tpu.memref_squeeze %dma_start3A_909 : memref<1x128x128xf32, #tpu.memory_space<hbm>> -> memref<128x128xf32, #tpu.memory_space<hbm>>
      tpu.enqueue_dma source(%arg6 : memref<128x128xf32, #tpu.memory_space<vmem>>) target(%dma_start3A_910 : memref<128x128xf32, #tpu.memory_space<hbm>>) target_semaphore(%arg19 : memref<!tpu.dma_semaphore, #tpu.memory_space<semaphore_mem>>)
      %dma_wait3A_911 = arith.constant 0 : i32
      %dma_wait3A_912 = arith.constant 0 : i32
      %dma_wait3A_913 = arith.constant 0 : i32
      %dma_wait3A_914 = tpu.memref_slice %arg4[%dma_wait3A_911, %dma_wait3A_912, %dma_wait3A_913] : memref<200x4096x128xf32, #tpu.memory_space<hbm>> -> memref<1x128x128xf32, #tpu.memory_space<hbm>>
      %dma_wait3A_915 = tpu.memref_squeeze %dma_wait3A_914 : memref<1x128x128xf32, #tpu.memory_space<hbm>> -> memref<128x128xf32, #tpu.memory_space<hbm>>
      %dma_wait3A_916 = arith.constant 0 : i32
      %dma_wait3A_917 = arith.constant 0 : i32
      %dma_wait3A_918 = tpu.memref_slice %arg4[%dma_wait3A_911, %dma_wait3A_916, %dma_wait3A_917] : memref<200x4096x128xf32, #tpu.memory_space<hbm>> -> memref<1x128x128xf32, #tpu.memory_space<hbm>>
      %dma_wait3A_919 = tpu.memref_squeeze %dma_wait3A_918 : memref<1x128x128xf32, #tpu.memory_space<hbm>> -> memref<128x128xf32, #tpu.memory_space<hbm>>
      tpu.wait_dma2 semaphore(%arg22 : memref<!tpu.dma_semaphore, #tpu.memory_space<semaphore_mem>>) src(%arg9 : memref<128x128xf32, #tpu.memory_space<vmem>>) dst(%dma_wait3A_919 : memref<128x128xf32, #tpu.memory_space<hbm>>)
      %add3A_920 = arith.constant 3 : i32
      %add3A_921 = arith.addi %add3A_897, %add3A_920 : i32
      %dma_start3A_922 = arith.constant 0 : i32
      %dma_start3A_923 = tpu.memref_slice %arg5[%add3A_921, %dma_start3A_922] : memref<200x128xi32, #tpu.memory_space<vmem>> -> memref<1x128xi32, #tpu.memory_space<vmem>>
      %dma_start3A_924 = tpu.memref_squeeze %dma_start3A_923 : memref<1x128xi32, #tpu.memory_space<vmem>> -> memref<128xi32, #tpu.memory_space<vmem>>
      %dma_start3A_925 = arith.constant 0 : i32
      %dma_start3A_926 = arith.constant 0 : i32
      %dma_start3A_927 = tpu.memref_slice %arg3[%dma_start3A_925, %dma_start3A_926] : memref<1000000x128xf32, #tpu.memory_space<hbm>> -> memref<1000000x128xf32, #tpu.memory_space<hbm>>
      tpu.enqueue_indirect_dma source(%dma_start3A_927 : memref<1000000x128xf32, #tpu.memory_space<hbm>>) target(%arg9 : memref<128x128xf32, #tpu.memory_space<vmem>>) offsets(%dma_start3A_924 : memref<128xi32, #tpu.memory_space<vmem>>) semaphore(%arg16 : memref<!tpu.dma_semaphore, #tpu.memory_space<semaphore_mem>>)
      %add3A_928 = arith.constant 4 : i32
      %add3A_929 = arith.addi %add3A_799, %add3A_928 : i32
      %dma_wait3A_930 = arith.constant 0 : i32
      %dma_wait3A_931 = arith.constant 0 : i32
      %dma_wait3A_932 = tpu.memref_slice %arg5[%dma_wait3A_930, %dma_wait3A_931] : memref<200x128xi32, #tpu.memory_space<vmem>> -> memref<1x128xi32, #tpu.memory_space<vmem>>
      %dma_wait3A_933 = tpu.memref_squeeze %dma_wait3A_932 : memref<1x128xi32, #tpu.memory_space<vmem>> -> memref<128xi32, #tpu.memory_space<vmem>>
      %dma_wait3A_934 = arith.constant 0 : i32
      %dma_wait3A_935 = arith.constant 0 : i32
      %dma_wait3A_936 = tpu.memref_slice %arg3[%dma_wait3A_934, %dma_wait3A_935] : memref<1000000x128xf32, #tpu.memory_space<hbm>> -> memref<1000000x128xf32, #tpu.memory_space<hbm>>
      tpu.wait_indirect_dma semaphore(%arg14 : memref<!tpu.dma_semaphore, #tpu.memory_space<semaphore_mem>>) src(%dma_wait3A_936 : memref<1000000x128xf32, #tpu.memory_space<hbm>>) dst(%arg7 : memref<128x128xf32, #tpu.memory_space<vmem>>)
      %dma_start3A_937 = arith.constant 0 : i32
      %dma_start3A_938 = tpu.memref_slice %arg4[%add3A_929, %mul3A_2, %dma_start3A_937] : memref<200x4096x128xf32, #tpu.memory_space<hbm>> -> memref<1x128x128xf32, #tpu.memory_space<hbm>>
      %dma_start3A_939 = tpu.memref_squeeze %dma_start3A_938 : memref<1x128x128xf32, #tpu.memory_space<hbm>> -> memref<128x128xf32, #tpu.memory_space<hbm>>
      %dma_start3A_940 = arith.constant 0 : i32
      %dma_start3A_941 = tpu.memref_slice %arg4[%add3A_929, %mul3A_2, %dma_start3A_940] : memref<200x4096x128xf32, #tpu.memory_space<hbm>> -> memref<1x128x128xf32, #tpu.memory_space<hbm>>
      %dma_start3A_942 = tpu.memref_squeeze %dma_start3A_941 : memref<1x128x128xf32, #tpu.memory_space<hbm>> -> memref<128x128xf32, #tpu.memory_space<hbm>>
      tpu.enqueue_dma source(%arg7 : memref<128x128xf32, #tpu.memory_space<vmem>>) target(%dma_start3A_942 : memref<128x128xf32, #tpu.memory_space<hbm>>) target_semaphore(%arg20 : memref<!tpu.dma_semaphore, #tpu.memory_space<semaphore_mem>>)
      %dma_wait3A_943 = arith.constant 0 : i32
      %dma_wait3A_944 = arith.constant 0 : i32
      %dma_wait3A_945 = arith.constant 0 : i32
      %dma_wait3A_946 = tpu.memref_slice %arg4[%dma_wait3A_943, %dma_wait3A_944, %dma_wait3A_945] : memref<200x4096x128xf32, #tpu.memory_space<hbm>> -> memref<1x128x128xf32, #tpu.memory_space<hbm>>
      %dma_wait3A_947 = tpu.memref_squeeze %dma_wait3A_946 : memref<1x128x128xf32, #tpu.memory_space<hbm>> -> memref<128x128xf32, #tpu.memory_space<hbm>>
      %dma_wait3A_948 = arith.constant 0 : i32
      %dma_wait3A_949 = arith.constant 0 : i32
      %dma_wait3A_950 = tpu.memref_slice %arg4[%dma_wait3A_943, %dma_wait3A_948, %dma_wait3A_949] : memref<200x4096x128xf32, #tpu.memory_space<hbm>> -> memref<1x128x128xf32, #tpu.memory_space<hbm>>
      %dma_wait3A_951 = tpu.memref_squeeze %dma_wait3A_950 : memref<1x128x128xf32, #tpu.memory_space<hbm>> -> memref<128x128xf32, #tpu.memory_space<hbm>>
      tpu.wait_dma2 semaphore(%arg23 : memref<!tpu.dma_semaphore, #tpu.memory_space<semaphore_mem>>) src(%arg10 : memref<128x128xf32, #tpu.memory_space<vmem>>) dst(%dma_wait3A_951 : memref<128x128xf32, #tpu.memory_space<hbm>>)
      %add3A_952 = arith.constant 3 : i32
      %add3A_953 = arith.addi %add3A_929, %add3A_952 : i32
      %dma_start3A_954 = arith.constant 0 : i32
      %dma_start3A_955 = tpu.memref_slice %arg5[%add3A_953, %dma_start3A_954] : memref<200x128xi32, #tpu.memory_space<vmem>> -> memref<1x128xi32, #tpu.memory_space<vmem>>
      %dma_start3A_956 = tpu.memref_squeeze %dma_start3A_955 : memref<1x128xi32, #tpu.memory_space<vmem>> -> memref<128xi32, #tpu.memory_space<vmem>>
      %dma_start3A_957 = arith.constant 0 : i32
      %dma_start3A_958 = arith.constant 0 : i32
      %dma_start3A_959 = tpu.memref_slice %arg3[%dma_start3A_957, %dma_start3A_958] : memref<1000000x128xf32, #tpu.memory_space<hbm>> -> memref<1000000x128xf32, #tpu.memory_space<hbm>>
      tpu.enqueue_indirect_dma source(%dma_start3A_959 : memref<1000000x128xf32, #tpu.memory_space<hbm>>) target(%arg10 : memref<128x128xf32, #tpu.memory_space<vmem>>) offsets(%dma_start3A_956 : memref<128xi32, #tpu.memory_space<vmem>>) semaphore(%arg17 : memref<!tpu.dma_semaphore, #tpu.memory_space<semaphore_mem>>)
      %add3A_960 = arith.constant 5 : i32
      %add3A_961 = arith.addi %add3A_799, %add3A_960 : i32
      %dma_wait3A_962 = arith.constant 0 : i32
      %dma_wait3A_963 = arith.constant 0 : i32
      %dma_wait3A_964 = tpu.memref_slice %arg5[%dma_wait3A_962, %dma_wait3A_963] : memref<200x128xi32, #tpu.memory_space<vmem>> -> memref<1x128xi32, #tpu.memory_space<vmem>>
      %dma_wait3A_965 = tpu.memref_squeeze %dma_wait3A_964 : memref<1x128xi32, #tpu.memory_space<vmem>> -> memref<128xi32, #tpu.memory_space<vmem>>
      %dma_wait3A_966 = arith.constant 0 : i32
      %dma_wait3A_967 = arith.constant 0 : i32
      %dma_wait3A_968 = tpu.memref_slice %arg3[%dma_wait3A_966, %dma_wait3A_967] : memref<1000000x128xf32, #tpu.memory_space<hbm>> -> memref<1000000x128xf32, #tpu.memory_space<hbm>>
      tpu.wait_indirect_dma semaphore(%arg15 : memref<!tpu.dma_semaphore, #tpu.memory_space<semaphore_mem>>) src(%dma_wait3A_968 : memref<1000000x128xf32, #tpu.memory_space<hbm>>) dst(%arg8 : memref<128x128xf32, #tpu.memory_space<vmem>>)
      %dma_start3A_969 = arith.constant 0 : i32
      %dma_start3A_970 = tpu.memref_slice %arg4[%add3A_961, %mul3A_2, %dma_start3A_969] : memref<200x4096x128xf32, #tpu.memory_space<hbm>> -> memref<1x128x128xf32, #tpu.memory_space<hbm>>
      %dma_start3A_971 = tpu.memref_squeeze %dma_start3A_970 : memref<1x128x128xf32, #tpu.memory_space<hbm>> -> memref<128x128xf32, #tpu.memory_space<hbm>>
      %dma_start3A_972 = arith.constant 0 : i32
      %dma_start3A_973 = tpu.memref_slice %arg4[%add3A_961, %mul3A_2, %dma_start3A_972] : memref<200x4096x128xf32, #tpu.memory_space<hbm>> -> memref<1x128x128xf32, #tpu.memory_space<hbm>>
      %dma_start3A_974 = tpu.memref_squeeze %dma_start3A_973 : memref<1x128x128xf32, #tpu.memory_space<hbm>> -> memref<128x128xf32, #tpu.memory_space<hbm>>
      tpu.enqueue_dma source(%arg8 : memref<128x128xf32, #tpu.memory_space<vmem>>) target(%dma_start3A_974 : memref<128x128xf32, #tpu.memory_space<hbm>>) target_semaphore(%arg21 : memref<!tpu.dma_semaphore, #tpu.memory_space<semaphore_mem>>)
      %dma_wait3A_975 = arith.constant 0 : i32
      %dma_wait3A_976 = arith.constant 0 : i32
      %dma_wait3A_977 = arith.constant 0 : i32
      %dma_wait3A_978 = tpu.memref_slice %arg4[%dma_wait3A_975, %dma_wait3A_976, %dma_wait3A_977] : memref<200x4096x128xf32, #tpu.memory_space<hbm>> -> memref<1x128x128xf32, #tpu.memory_space<hbm>>
      %dma_wait3A_979 = tpu.memref_squeeze %dma_wait3A_978 : memref<1x128x128xf32, #tpu.memory_space<hbm>> -> memref<128x128xf32, #tpu.memory_space<hbm>>
      %dma_wait3A_980 = arith.constant 0 : i32
      %dma_wait3A_981 = arith.constant 0 : i32
      %dma_wait3A_982 = tpu.memref_slice %arg4[%dma_wait3A_975, %dma_wait3A_980, %dma_wait3A_981] : memref<200x4096x128xf32, #tpu.memory_space<hbm>> -> memref<1x128x128xf32, #tpu.memory_space<hbm>>
      %dma_wait3A_983 = tpu.memref_squeeze %dma_wait3A_982 : memref<1x128x128xf32, #tpu.memory_space<hbm>> -> memref<128x128xf32, #tpu.memory_space<hbm>>
      tpu.wait_dma2 semaphore(%arg24 : memref<!tpu.dma_semaphore, #tpu.memory_space<semaphore_mem>>) src(%arg11 : memref<128x128xf32, #tpu.memory_space<vmem>>) dst(%dma_wait3A_983 : memref<128x128xf32, #tpu.memory_space<hbm>>)
      %add3A_984 = arith.constant 3 : i32
      %add3A_985 = arith.addi %add3A_961, %add3A_984 : i32
      %dma_start3A_986 = arith.constant 0 : i32
      %dma_start3A_987 = tpu.memref_slice %arg5[%add3A_985, %dma_start3A_986] : memref<200x128xi32, #tpu.memory_space<vmem>> -> memref<1x128xi32, #tpu.memory_space<vmem>>
      %dma_start3A_988 = tpu.memref_squeeze %dma_start3A_987 : memref<1x128xi32, #tpu.memory_space<vmem>> -> memref<128xi32, #tpu.memory_space<vmem>>
      %dma_start3A_989 = arith.constant 0 : i32
      %dma_start3A_990 = arith.constant 0 : i32
      %dma_start3A_991 = tpu.memref_slice %arg3[%dma_start3A_989, %dma_start3A_990] : memref<1000000x128xf32, #tpu.memory_space<hbm>> -> memref<1000000x128xf32, #tpu.memory_space<hbm>>
      tpu.enqueue_indirect_dma source(%dma_start3A_991 : memref<1000000x128xf32, #tpu.memory_space<hbm>>) target(%arg11 : memref<128x128xf32, #tpu.memory_space<vmem>>) offsets(%dma_start3A_988 : memref<128xi32, #tpu.memory_space<vmem>>) semaphore(%arg18 : memref<!tpu.dma_semaphore, #tpu.memory_space<semaphore_mem>>)
    }
    %scan3A_638 = arith.constant 32 : i32
    %dma_wait3A_639 = arith.constant 0 : i32
    %dma_wait3A_640 = arith.constant 0 : i32
    %dma_wait3A_641 = tpu.memref_slice %arg5[%dma_wait3A_639, %dma_wait3A_640] : memref<200x128xi32, #tpu.memory_space<vmem>> -> memref<1x128xi32, #tpu.memory_space<vmem>>
    %dma_wait3A_642 = tpu.memref_squeeze %dma_wait3A_641 : memref<1x128xi32, #tpu.memory_space<vmem>> -> memref<128xi32, #tpu.memory_space<vmem>>
    %dma_wait3A_643 = arith.constant 0 : i32
    %dma_wait3A_644 = arith.constant 0 : i32
    %dma_wait3A_645 = tpu.memref_slice %arg3[%dma_wait3A_643, %dma_wait3A_644] : memref<1000000x128xf32, #tpu.memory_space<hbm>> -> memref<1000000x128xf32, #tpu.memory_space<hbm>>
    tpu.wait_indirect_dma semaphore(%arg16 : memref<!tpu.dma_semaphore, #tpu.memory_space<semaphore_mem>>) src(%dma_wait3A_645 : memref<1000000x128xf32, #tpu.memory_space<hbm>>) dst(%arg9 : memref<128x128xf32, #tpu.memory_space<vmem>>)
    %dma_start3A_646 = arith.constant 195 : i32
    %dma_start3A_647 = arith.constant 0 : i32
    %dma_start3A_648 = tpu.memref_slice %arg4[%dma_start3A_646, %mul3A_2, %dma_start3A_647] : memref<200x4096x128xf32, #tpu.memory_space<hbm>> -> memref<1x128x128xf32, #tpu.memory_space<hbm>>
    %dma_start3A_649 = tpu.memref_squeeze %dma_start3A_648 : memref<1x128x128xf32, #tpu.memory_space<hbm>> -> memref<128x128xf32, #tpu.memory_space<hbm>>
    %dma_start3A_650 = arith.constant 0 : i32
    %dma_start3A_651 = tpu.memref_slice %arg4[%dma_start3A_646, %mul3A_2, %dma_start3A_650] : memref<200x4096x128xf32, #tpu.memory_space<hbm>> -> memref<1x128x128xf32, #tpu.memory_space<hbm>>
    %dma_start3A_652 = tpu.memref_squeeze %dma_start3A_651 : memref<1x128x128xf32, #tpu.memory_space<hbm>> -> memref<128x128xf32, #tpu.memory_space<hbm>>
    tpu.enqueue_dma source(%arg9 : memref<128x128xf32, #tpu.memory_space<vmem>>) target(%dma_start3A_652 : memref<128x128xf32, #tpu.memory_space<hbm>>) target_semaphore(%arg22 : memref<!tpu.dma_semaphore, #tpu.memory_space<semaphore_mem>>)
    %dma_wait3A_653 = arith.constant 0 : i32
    %dma_wait3A_654 = arith.constant 0 : i32
    %dma_wait3A_655 = arith.constant 0 : i32
    %dma_wait3A_656 = tpu.memref_slice %arg4[%dma_wait3A_653, %dma_wait3A_654, %dma_wait3A_655] : memref<200x4096x128xf32, #tpu.memory_space<hbm>> -> memref<1x128x128xf32, #tpu.memory_space<hbm>>
    %dma_wait3A_657 = tpu.memref_squeeze %dma_wait3A_656 : memref<1x128x128xf32, #tpu.memory_space<hbm>> -> memref<128x128xf32, #tpu.memory_space<hbm>>
    %dma_wait3A_658 = arith.constant 0 : i32
    %dma_wait3A_659 = arith.constant 0 : i32
    %dma_wait3A_660 = tpu.memref_slice %arg4[%dma_wait3A_653, %dma_wait3A_658, %dma_wait3A_659] : memref<200x4096x128xf32, #tpu.memory_space<hbm>> -> memref<1x128x128xf32, #tpu.memory_space<hbm>>
    %dma_wait3A_661 = tpu.memref_squeeze %dma_wait3A_660 : memref<1x128x128xf32, #tpu.memory_space<hbm>> -> memref<128x128xf32, #tpu.memory_space<hbm>>
    tpu.wait_dma2 semaphore(%arg19 : memref<!tpu.dma_semaphore, #tpu.memory_space<semaphore_mem>>) src(%arg6 : memref<128x128xf32, #tpu.memory_space<vmem>>) dst(%dma_wait3A_661 : memref<128x128xf32, #tpu.memory_space<hbm>>)
    %dma_start3A_662 = arith.constant 198 : i32
    %dma_start3A_663 = arith.constant 0 : i32
    %dma_start3A_664 = tpu.memref_slice %arg5[%dma_start3A_662, %dma_start3A_663] : memref<200x128xi32, #tpu.memory_space<vmem>> -> memref<1x128xi32, #tpu.memory_space<vmem>>
    %dma_start3A_665 = tpu.memref_squeeze %dma_start3A_664 : memref<1x128xi32, #tpu.memory_space<vmem>> -> memref<128xi32, #tpu.memory_space<vmem>>
    %dma_start3A_666 = arith.constant 0 : i32
    %dma_start3A_667 = arith.constant 0 : i32
    %dma_start3A_668 = tpu.memref_slice %arg3[%dma_start3A_666, %dma_start3A_667] : memref<1000000x128xf32, #tpu.memory_space<hbm>> -> memref<1000000x128xf32, #tpu.memory_space<hbm>>
    tpu.enqueue_indirect_dma source(%dma_start3A_668 : memref<1000000x128xf32, #tpu.memory_space<hbm>>) target(%arg6 : memref<128x128xf32, #tpu.memory_space<vmem>>) offsets(%dma_start3A_665 : memref<128xi32, #tpu.memory_space<vmem>>) semaphore(%arg13 : memref<!tpu.dma_semaphore, #tpu.memory_space<semaphore_mem>>)
    %dma_wait3A_669 = arith.constant 0 : i32
    %dma_wait3A_670 = arith.constant 0 : i32
    %dma_wait3A_671 = tpu.memref_slice %arg5[%dma_wait3A_669, %dma_wait3A_670] : memref<200x128xi32, #tpu.memory_space<vmem>> -> memref<1x128xi32, #tpu.memory_space<vmem>>
    %dma_wait3A_672 = tpu.memref_squeeze %dma_wait3A_671 : memref<1x128xi32, #tpu.memory_space<vmem>> -> memref<128xi32, #tpu.memory_space<vmem>>
    %dma_wait3A_673 = arith.constant 0 : i32
    %dma_wait3A_674 = arith.constant 0 : i32
    %dma_wait3A_675 = tpu.memref_slice %arg3[%dma_wait3A_673, %dma_wait3A_674] : memref<1000000x128xf32, #tpu.memory_space<hbm>> -> memref<1000000x128xf32, #tpu.memory_space<hbm>>
    tpu.wait_indirect_dma semaphore(%arg17 : memref<!tpu.dma_semaphore, #tpu.memory_space<semaphore_mem>>) src(%dma_wait3A_675 : memref<1000000x128xf32, #tpu.memory_space<hbm>>) dst(%arg10 : memref<128x128xf32, #tpu.memory_space<vmem>>)
    %dma_start3A_676 = arith.constant 196 : i32
    %dma_start3A_677 = arith.constant 0 : i32
    %dma_start3A_678 = tpu.memref_slice %arg4[%dma_start3A_676, %mul3A_2, %dma_start3A_677] : memref<200x4096x128xf32, #tpu.memory_space<hbm>> -> memref<1x128x128xf32, #tpu.memory_space<hbm>>
    %dma_start3A_679 = tpu.memref_squeeze %dma_start3A_678 : memref<1x128x128xf32, #tpu.memory_space<hbm>> -> memref<128x128xf32, #tpu.memory_space<hbm>>
    %dma_start3A_680 = arith.constant 0 : i32
    %dma_start3A_681 = tpu.memref_slice %arg4[%dma_start3A_676, %mul3A_2, %dma_start3A_680] : memref<200x4096x128xf32, #tpu.memory_space<hbm>> -> memref<1x128x128xf32, #tpu.memory_space<hbm>>
    %dma_start3A_682 = tpu.memref_squeeze %dma_start3A_681 : memref<1x128x128xf32, #tpu.memory_space<hbm>> -> memref<128x128xf32, #tpu.memory_space<hbm>>
    tpu.enqueue_dma source(%arg10 : memref<128x128xf32, #tpu.memory_space<vmem>>) target(%dma_start3A_682 : memref<128x128xf32, #tpu.memory_space<hbm>>) target_semaphore(%arg23 : memref<!tpu.dma_semaphore, #tpu.memory_space<semaphore_mem>>)
    %dma_wait3A_683 = arith.constant 0 : i32
    %dma_wait3A_684 = arith.constant 0 : i32
    %dma_wait3A_685 = arith.constant 0 : i32
    %dma_wait3A_686 = tpu.memref_slice %arg4[%dma_wait3A_683, %dma_wait3A_684, %dma_wait3A_685] : memref<200x4096x128xf32, #tpu.memory_space<hbm>> -> memref<1x128x128xf32, #tpu.memory_space<hbm>>
    %dma_wait3A_687 = tpu.memref_squeeze %dma_wait3A_686 : memref<1x128x128xf32, #tpu.memory_space<hbm>> -> memref<128x128xf32, #tpu.memory_space<hbm>>
    %dma_wait3A_688 = arith.constant 0 : i32
    %dma_wait3A_689 = arith.constant 0 : i32
    %dma_wait3A_690 = tpu.memref_slice %arg4[%dma_wait3A_683, %dma_wait3A_688, %dma_wait3A_689] : memref<200x4096x128xf32, #tpu.memory_space<hbm>> -> memref<1x128x128xf32, #tpu.memory_space<hbm>>
    %dma_wait3A_691 = tpu.memref_squeeze %dma_wait3A_690 : memref<1x128x128xf32, #tpu.memory_space<hbm>> -> memref<128x128xf32, #tpu.memory_space<hbm>>
    tpu.wait_dma2 semaphore(%arg20 : memref<!tpu.dma_semaphore, #tpu.memory_space<semaphore_mem>>) src(%arg7 : memref<128x128xf32, #tpu.memory_space<vmem>>) dst(%dma_wait3A_691 : memref<128x128xf32, #tpu.memory_space<hbm>>)
    %dma_start3A_692 = arith.constant 199 : i32
    %dma_start3A_693 = arith.constant 0 : i32
    %dma_start3A_694 = tpu.memref_slice %arg5[%dma_start3A_692, %dma_start3A_693] : memref<200x128xi32, #tpu.memory_space<vmem>> -> memref<1x128xi32, #tpu.memory_space<vmem>>
    %dma_start3A_695 = tpu.memref_squeeze %dma_start3A_694 : memref<1x128xi32, #tpu.memory_space<vmem>> -> memref<128xi32, #tpu.memory_space<vmem>>
    %dma_start3A_696 = arith.constant 0 : i32
    %dma_start3A_697 = arith.constant 0 : i32
    %dma_start3A_698 = tpu.memref_slice %arg3[%dma_start3A_696, %dma_start3A_697] : memref<1000000x128xf32, #tpu.memory_space<hbm>> -> memref<1000000x128xf32, #tpu.memory_space<hbm>>
    tpu.enqueue_indirect_dma source(%dma_start3A_698 : memref<1000000x128xf32, #tpu.memory_space<hbm>>) target(%arg7 : memref<128x128xf32, #tpu.memory_space<vmem>>) offsets(%dma_start3A_695 : memref<128xi32, #tpu.memory_space<vmem>>) semaphore(%arg14 : memref<!tpu.dma_semaphore, #tpu.memory_space<semaphore_mem>>)
    %dma_wait3A_699 = arith.constant 0 : i32
    %dma_wait3A_700 = arith.constant 0 : i32
    %dma_wait3A_701 = tpu.memref_slice %arg5[%dma_wait3A_699, %dma_wait3A_700] : memref<200x128xi32, #tpu.memory_space<vmem>> -> memref<1x128xi32, #tpu.memory_space<vmem>>
    %dma_wait3A_702 = tpu.memref_squeeze %dma_wait3A_701 : memref<1x128xi32, #tpu.memory_space<vmem>> -> memref<128xi32, #tpu.memory_space<vmem>>
    %dma_wait3A_703 = arith.constant 0 : i32
    %dma_wait3A_704 = arith.constant 0 : i32
    %dma_wait3A_705 = tpu.memref_slice %arg3[%dma_wait3A_703, %dma_wait3A_704] : memref<1000000x128xf32, #tpu.memory_space<hbm>> -> memref<1000000x128xf32, #tpu.memory_space<hbm>>
    tpu.wait_indirect_dma semaphore(%arg18 : memref<!tpu.dma_semaphore, #tpu.memory_space<semaphore_mem>>) src(%dma_wait3A_705 : memref<1000000x128xf32, #tpu.memory_space<hbm>>) dst(%arg11 : memref<128x128xf32, #tpu.memory_space<vmem>>)
    %dma_start3A_706 = arith.constant 197 : i32
    %dma_start3A_707 = arith.constant 0 : i32
    %dma_start3A_708 = tpu.memref_slice %arg4[%dma_start3A_706, %mul3A_2, %dma_start3A_707] : memref<200x4096x128xf32, #tpu.memory_space<hbm>> -> memref<1x128x128xf32, #tpu.memory_space<hbm>>
    %dma_start3A_709 = tpu.memref_squeeze %dma_start3A_708 : memref<1x128x128xf32, #tpu.memory_space<hbm>> -> memref<128x128xf32, #tpu.memory_space<hbm>>
    %dma_start3A_710 = arith.constant 0 : i32
    %dma_start3A_711 = tpu.memref_slice %arg4[%dma_start3A_706, %mul3A_2, %dma_start3A_710] : memref<200x4096x128xf32, #tpu.memory_space<hbm>> -> memref<1x128x128xf32, #tpu.memory_space<hbm>>
    %dma_start3A_712 = tpu.memref_squeeze %dma_start3A_711 : memref<1x128x128xf32, #tpu.memory_space<hbm>> -> memref<128x128xf32, #tpu.memory_space<hbm>>
    tpu.enqueue_dma source(%arg11 : memref<128x128xf32, #tpu.memory_space<vmem>>) target(%dma_start3A_712 : memref<128x128xf32, #tpu.memory_space<hbm>>) target_semaphore(%arg24 : memref<!tpu.dma_semaphore, #tpu.memory_space<semaphore_mem>>)
    %dma_wait3A_713 = arith.constant 0 : i32
    %dma_wait3A_714 = arith.constant 0 : i32
    %dma_wait3A_715 = arith.constant 0 : i32
    %dma_wait3A_716 = tpu.memref_slice %arg4[%dma_wait3A_713, %dma_wait3A_714, %dma_wait3A_715] : memref<200x4096x128xf32, #tpu.memory_space<hbm>> -> memref<1x128x128xf32, #tpu.memory_space<hbm>>
    %dma_wait3A_717 = tpu.memref_squeeze %dma_wait3A_716 : memref<1x128x128xf32, #tpu.memory_space<hbm>> -> memref<128x128xf32, #tpu.memory_space<hbm>>
    %dma_wait3A_718 = arith.constant 0 : i32
    %dma_wait3A_719 = arith.constant 0 : i32
    %dma_wait3A_720 = tpu.memref_slice %arg4[%dma_wait3A_713, %dma_wait3A_718, %dma_wait3A_719] : memref<200x4096x128xf32, #tpu.memory_space<hbm>> -> memref<1x128x128xf32, #tpu.memory_space<hbm>>
    %dma_wait3A_721 = tpu.memref_squeeze %dma_wait3A_720 : memref<1x128x128xf32, #tpu.memory_space<hbm>> -> memref<128x128xf32, #tpu.memory_space<hbm>>
    tpu.wait_dma2 semaphore(%arg21 : memref<!tpu.dma_semaphore, #tpu.memory_space<semaphore_mem>>) src(%arg8 : memref<128x128xf32, #tpu.memory_space<vmem>>) dst(%dma_wait3A_721 : memref<128x128xf32, #tpu.memory_space<hbm>>)
    %dma_wait3A_722 = arith.constant 0 : i32
    %dma_wait3A_723 = arith.constant 0 : i32
    %dma_wait3A_724 = tpu.memref_slice %arg5[%dma_wait3A_722, %dma_wait3A_723] : memref<200x128xi32, #tpu.memory_space<vmem>> -> memref<1x128xi32, #tpu.memory_space<vmem>>
    %dma_wait3A_725 = tpu.memref_squeeze %dma_wait3A_724 : memref<1x128xi32, #tpu.memory_space<vmem>> -> memref<128xi32, #tpu.memory_space<vmem>>
    %dma_wait3A_726 = arith.constant 0 : i32
    %dma_wait3A_727 = arith.constant 0 : i32
    %dma_wait3A_728 = tpu.memref_slice %arg3[%dma_wait3A_726, %dma_wait3A_727] : memref<1000000x128xf32, #tpu.memory_space<hbm>> -> memref<1000000x128xf32, #tpu.memory_space<hbm>>
    tpu.wait_indirect_dma semaphore(%arg13 : memref<!tpu.dma_semaphore, #tpu.memory_space<semaphore_mem>>) src(%dma_wait3A_728 : memref<1000000x128xf32, #tpu.memory_space<hbm>>) dst(%arg6 : memref<128x128xf32, #tpu.memory_space<vmem>>)
    %dma_start3A_729 = arith.constant 198 : i32
    %dma_start3A_730 = arith.constant 0 : i32
    %dma_start3A_731 = tpu.memref_slice %arg4[%dma_start3A_729, %mul3A_2, %dma_start3A_730] : memref<200x4096x128xf32, #tpu.memory_space<hbm>> -> memref<1x128x128xf32, #tpu.memory_space<hbm>>
    %dma_start3A_732 = tpu.memref_squeeze %dma_start3A_731 : memref<1x128x128xf32, #tpu.memory_space<hbm>> -> memref<128x128xf32, #tpu.memory_space<hbm>>
    %dma_start3A_733 = arith.constant 0 : i32
    %dma_start3A_734 = tpu.memref_slice %arg4[%dma_start3A_729, %mul3A_2, %dma_start3A_733] : memref<200x4096x128xf32, #tpu.memory_space<hbm>> -> memref<1x128x128xf32, #tpu.memory_space<hbm>>
    %dma_start3A_735 = tpu.memref_squeeze %dma_start3A_734 : memref<1x128x128xf32, #tpu.memory_space<hbm>> -> memref<128x128xf32, #tpu.memory_space<hbm>>
    tpu.enqueue_dma source(%arg6 : memref<128x128xf32, #tpu.memory_space<vmem>>) target(%dma_start3A_735 : memref<128x128xf32, #tpu.memory_space<hbm>>) target_semaphore(%arg19 : memref<!tpu.dma_semaphore, #tpu.memory_space<semaphore_mem>>)
    %dma_wait3A_736 = arith.constant 0 : i32
    %dma_wait3A_737 = arith.constant 0 : i32
    %dma_wait3A_738 = arith.constant 0 : i32
    %dma_wait3A_739 = tpu.memref_slice %arg4[%dma_wait3A_736, %dma_wait3A_737, %dma_wait3A_738] : memref<200x4096x128xf32, #tpu.memory_space<hbm>> -> memref<1x128x128xf32, #tpu.memory_space<hbm>>
    %dma_wait3A_740 = tpu.memref_squeeze %dma_wait3A_739 : memref<1x128x128xf32, #tpu.memory_space<hbm>> -> memref<128x128xf32, #tpu.memory_space<hbm>>
    %dma_wait3A_741 = arith.constant 0 : i32
    %dma_wait3A_742 = arith.constant 0 : i32
    %dma_wait3A_743 = tpu.memref_slice %arg4[%dma_wait3A_736, %dma_wait3A_741, %dma_wait3A_742] : memref<200x4096x128xf32, #tpu.memory_space<hbm>> -> memref<1x128x128xf32, #tpu.memory_space<hbm>>
    %dma_wait3A_744 = tpu.memref_squeeze %dma_wait3A_743 : memref<1x128x128xf32, #tpu.memory_space<hbm>> -> memref<128x128xf32, #tpu.memory_space<hbm>>
    tpu.wait_dma2 semaphore(%arg22 : memref<!tpu.dma_semaphore, #tpu.memory_space<semaphore_mem>>) src(%arg9 : memref<128x128xf32, #tpu.memory_space<vmem>>) dst(%dma_wait3A_744 : memref<128x128xf32, #tpu.memory_space<hbm>>)
    %dma_wait3A_745 = arith.constant 0 : i32
    %dma_wait3A_746 = arith.constant 0 : i32
    %dma_wait3A_747 = tpu.memref_slice %arg5[%dma_wait3A_745, %dma_wait3A_746] : memref<200x128xi32, #tpu.memory_space<vmem>> -> memref<1x128xi32, #tpu.memory_space<vmem>>
    %dma_wait3A_748 = tpu.memref_squeeze %dma_wait3A_747 : memref<1x128xi32, #tpu.memory_space<vmem>> -> memref<128xi32, #tpu.memory_space<vmem>>
    %dma_wait3A_749 = arith.constant 0 : i32
    %dma_wait3A_750 = arith.constant 0 : i32
    %dma_wait3A_751 = tpu.memref_slice %arg3[%dma_wait3A_749, %dma_wait3A_750] : memref<1000000x128xf32, #tpu.memory_space<hbm>> -> memref<1000000x128xf32, #tpu.memory_space<hbm>>
    tpu.wait_indirect_dma semaphore(%arg14 : memref<!tpu.dma_semaphore, #tpu.memory_space<semaphore_mem>>) src(%dma_wait3A_751 : memref<1000000x128xf32, #tpu.memory_space<hbm>>) dst(%arg7 : memref<128x128xf32, #tpu.memory_space<vmem>>)
    %dma_start3A_752 = arith.constant 199 : i32
    %dma_start3A_753 = arith.constant 0 : i32
    %dma_start3A_754 = tpu.memref_slice %arg4[%dma_start3A_752, %mul3A_2, %dma_start3A_753] : memref<200x4096x128xf32, #tpu.memory_space<hbm>> -> memref<1x128x128xf32, #tpu.memory_space<hbm>>
    %dma_start3A_755 = tpu.memref_squeeze %dma_start3A_754 : memref<1x128x128xf32, #tpu.memory_space<hbm>> -> memref<128x128xf32, #tpu.memory_space<hbm>>
    %dma_start3A_756 = arith.constant 0 : i32
    %dma_start3A_757 = tpu.memref_slice %arg4[%dma_start3A_752, %mul3A_2, %dma_start3A_756] : memref<200x4096x128xf32, #tpu.memory_space<hbm>> -> memref<1x128x128xf32, #tpu.memory_space<hbm>>
    %dma_start3A_758 = tpu.memref_squeeze %dma_start3A_757 : memref<1x128x128xf32, #tpu.memory_space<hbm>> -> memref<128x128xf32, #tpu.memory_space<hbm>>
    tpu.enqueue_dma source(%arg7 : memref<128x128xf32, #tpu.memory_space<vmem>>) target(%dma_start3A_758 : memref<128x128xf32, #tpu.memory_space<hbm>>) target_semaphore(%arg20 : memref<!tpu.dma_semaphore, #tpu.memory_space<semaphore_mem>>)
    %dma_wait3A_759 = arith.constant 0 : i32
    %dma_wait3A_760 = arith.constant 0 : i32
    %dma_wait3A_761 = arith.constant 0 : i32
    %dma_wait3A_762 = tpu.memref_slice %arg4[%dma_wait3A_759, %dma_wait3A_760, %dma_wait3A_761] : memref<200x4096x128xf32, #tpu.memory_space<hbm>> -> memref<1x128x128xf32, #tpu.memory_space<hbm>>
    %dma_wait3A_763 = tpu.memref_squeeze %dma_wait3A_762 : memref<1x128x128xf32, #tpu.memory_space<hbm>> -> memref<128x128xf32, #tpu.memory_space<hbm>>
    %dma_wait3A_764 = arith.constant 0 : i32
    %dma_wait3A_765 = arith.constant 0 : i32
    %dma_wait3A_766 = tpu.memref_slice %arg4[%dma_wait3A_759, %dma_wait3A_764, %dma_wait3A_765] : memref<200x4096x128xf32, #tpu.memory_space<hbm>> -> memref<1x128x128xf32, #tpu.memory_space<hbm>>
    %dma_wait3A_767 = tpu.memref_squeeze %dma_wait3A_766 : memref<1x128x128xf32, #tpu.memory_space<hbm>> -> memref<128x128xf32, #tpu.memory_space<hbm>>
    tpu.wait_dma2 semaphore(%arg23 : memref<!tpu.dma_semaphore, #tpu.memory_space<semaphore_mem>>) src(%arg10 : memref<128x128xf32, #tpu.memory_space<vmem>>) dst(%dma_wait3A_767 : memref<128x128xf32, #tpu.memory_space<hbm>>)
    %dma_wait3A_768 = arith.constant 0 : i32
    %dma_wait3A_769 = arith.constant 0 : i32
    %dma_wait3A_770 = arith.constant 0 : i32
    %dma_wait3A_771 = tpu.memref_slice %arg4[%dma_wait3A_768, %dma_wait3A_769, %dma_wait3A_770] : memref<200x4096x128xf32, #tpu.memory_space<hbm>> -> memref<1x128x128xf32, #tpu.memory_space<hbm>>
    %dma_wait3A_772 = tpu.memref_squeeze %dma_wait3A_771 : memref<1x128x128xf32, #tpu.memory_space<hbm>> -> memref<128x128xf32, #tpu.memory_space<hbm>>
    %dma_wait3A_773 = arith.constant 0 : i32
    %dma_wait3A_774 = arith.constant 0 : i32
    %dma_wait3A_775 = tpu.memref_slice %arg4[%dma_wait3A_768, %dma_wait3A_773, %dma_wait3A_774] : memref<200x4096x128xf32, #tpu.memory_space<hbm>> -> memref<1x128x128xf32, #tpu.memory_space<hbm>>
    %dma_wait3A_776 = tpu.memref_squeeze %dma_wait3A_775 : memref<1x128x128xf32, #tpu.memory_space<hbm>> -> memref<128x128xf32, #tpu.memory_space<hbm>>
    tpu.wait_dma2 semaphore(%arg24 : memref<!tpu.dma_semaphore, #tpu.memory_space<semaphore_mem>>) src(%arg11 : memref<128x128xf32, #tpu.memory_space<vmem>>) dst(%dma_wait3A_776 : memref<128x128xf32, #tpu.memory_space<hbm>>)
    %dma_wait3A_777 = arith.constant 0 : i32
    %dma_wait3A_778 = arith.constant 0 : i32
    %dma_wait3A_779 = arith.constant 0 : i32
    %dma_wait3A_780 = tpu.memref_slice %arg4[%dma_wait3A_777, %dma_wait3A_778, %dma_wait3A_779] : memref<200x4096x128xf32, #tpu.memory_space<hbm>> -> memref<1x128x128xf32, #tpu.memory_space<hbm>>
    %dma_wait3A_781 = tpu.memref_squeeze %dma_wait3A_780 : memref<1x128x128xf32, #tpu.memory_space<hbm>> -> memref<128x128xf32, #tpu.memory_space<hbm>>
    %dma_wait3A_782 = arith.constant 0 : i32
    %dma_wait3A_783 = arith.constant 0 : i32
    %dma_wait3A_784 = tpu.memref_slice %arg4[%dma_wait3A_777, %dma_wait3A_782, %dma_wait3A_783] : memref<200x4096x128xf32, #tpu.memory_space<hbm>> -> memref<1x128x128xf32, #tpu.memory_space<hbm>>
    %dma_wait3A_785 = tpu.memref_squeeze %dma_wait3A_784 : memref<1x128x128xf32, #tpu.memory_space<hbm>> -> memref<128x128xf32, #tpu.memory_space<hbm>>
    tpu.wait_dma2 semaphore(%arg19 : memref<!tpu.dma_semaphore, #tpu.memory_space<semaphore_mem>>) src(%arg6 : memref<128x128xf32, #tpu.memory_space<vmem>>) dst(%dma_wait3A_785 : memref<128x128xf32, #tpu.memory_space<hbm>>)
    %dma_wait3A_786 = arith.constant 0 : i32
    %dma_wait3A_787 = arith.constant 0 : i32
    %dma_wait3A_788 = arith.constant 0 : i32
    %dma_wait3A_789 = tpu.memref_slice %arg4[%dma_wait3A_786, %dma_wait3A_787, %dma_wait3A_788] : memref<200x4096x128xf32, #tpu.memory_space<hbm>> -> memref<1x128x128xf32, #tpu.memory_space<hbm>>
    %dma_wait3A_790 = tpu.memref_squeeze %dma_wait3A_789 : memref<1x128x128xf32, #tpu.memory_space<hbm>> -> memref<128x128xf32, #tpu.memory_space<hbm>>
    %dma_wait3A_791 = arith.constant 0 : i32
    %dma_wait3A_792 = arith.constant 0 : i32
    %dma_wait3A_793 = tpu.memref_slice %arg4[%dma_wait3A_786, %dma_wait3A_791, %dma_wait3A_792] : memref<200x4096x128xf32, #tpu.memory_space<hbm>> -> memref<1x128x128xf32, #tpu.memory_space<hbm>>
    %dma_wait3A_794 = tpu.memref_squeeze %dma_wait3A_793 : memref<1x128x128xf32, #tpu.memory_space<hbm>> -> memref<128x128xf32, #tpu.memory_space<hbm>>
    tpu.wait_dma2 semaphore(%arg20 : memref<!tpu.dma_semaphore, #tpu.memory_space<semaphore_mem>>) src(%arg7 : memref<128x128xf32, #tpu.memory_space<vmem>>) dst(%dma_wait3A_794 : memref<128x128xf32, #tpu.memory_space<hbm>>)
    return
  }
}

</mosaic_0001>

<sc_bundles>
// kernel: kernel.3.cloned.1.call-start
scs
__scs_entry_jumppad:
0x0: {  	(pc) =	sbr.rel $0x88, $3  }
0x1: {  	(tag) =	ssettag $0x0;
	lr =	simm.s32 $0x1  }
0x2: {  	[smem:$0x3F9F] =	sst lr;
	_ =	strace $0xD0000000  }
0x3: {  	_ = 	snop  }
0x4: {  	_ = 	snop  }
0x5: {  	_ = 	snop  }
0x6: {  	_ = 	snop  }
0x7: {  	_ = 	snop  }
__scs_overlays_trampoline_lowered:
0x8: {  	[smem:$0x3FAE] =	sst s0  }
0x9: {  	[smem:$0x3FAF] =	sst s1  }
0xa: {  	[smem:$0x3FB0] =	sst s2  }
0xb: {  	[smem:$0x3FB1] =	sst s3  }
0xc: {  	[smem:$0x3FB2] =	sst s4  }
0xd: {  	[smem:$0x3FB3] =	sst s5  }
0xe: {  	[smem:$0x3FB4] =	sst s6  }
0xf: {  	[smem:$0x3FB5] =	sst s7  }
0x10: {  	[smem:$0x3FB6] =	sst s8  }
0x11: {  	[smem:$0x3FB7] =	sst s9;
	s0 =	simm.s32 @!p0 $0x0  }
0x12: {  	s1 =	sld [smem:$0x3F9D];
	s0 =	simm.s32 @p0 $0x1  }
0x13: {  	[smem:$0x3FB8] =	sst s0;
	s0 =	simm.s32 @!p1 $0x0  }
0x14: {  	s2 =	sld [smem:$0x3F9C];
	s0 =	simm.s32 @p1 $0x1  }
0x15: {  	[smem:$0x3FB9] =	sst s0;
	s0 =	simm.s32 @!p2 $0x0  }
0x16: {  	s3 =	sld [smem:$0x3FDB];
	s0 =	simm.s32 @p2 $0x1  }
0x17: {  	s4 =	simm.s32 $0x1BF5;
	[smem:$0x3FBB] =	sst s0  }
0x18: {  	s0 =	sld [smem:$0x3F9E];
	_ =	swait.ge [sflag:s4], $0x0  }
0x19: {  	s7 =	sld [smem:$0x3F9F]  }
0x1a: {  	s8 =	sadd.s32 $0xFFFFE003, lr  }
0x1b: {  	s9 =	sadd.s32 $0xFFFFFEF7, lr;
	s5 =	simm.s32 $0xFFFFFFFF;
	p2 =	slt.u32 s8, $0xFFFFF086  }
0x1c: {  	p1 =	slt.u32 s9, $0xF7A;
	s5 =	simm.s32 @!p2 $0x0  }
0x1d: {  	s5 =	simm.s32 @p1 $0x1;
	p0 =	seq.s32 s7, s2  }
0x1e: {  	s7 =	smul.u32 @!p0 $0xF7A, s2;
	p2 =	seq.s32 @!p0 s5, $0x0  }
0x1f: {  	s9 =	smul.u32 $0xF7A, s1;
	s8 =	simm.s32 @!p0 $0x1BF5;
	p2 =	por !p2, p0  }
0x20: {  	[sflag:s8] =	ssyncset.s32 @!p0 $0xFFFFF086;
	s6 =	sadd.s32 @!p0 s3, s7;
	s7 =	simm.s32 @!p0 $0x108  }
0x21: {  	s3 =	sadd.s32 s3, s9;
	s6 =	sadd.s32 @!p0 $0x88, s6;
	s7 =	simm.s32 @p2 $0x1082  }
0x22: {  	[simem:s7], [sflag:s8] =	dma.local @!p0 [hbm:s6], $0xF7A  }
0x23: {  	s9 =	sor.u32 $0xD0000000, s2;
	s6 =	simm.s32 $0x108;
	_ =	swait.ge @!p0 [sflag:s8], $0x0  }
0x24: {  	s3 =	sadd.s32 $0x88, s3;
	s6 =	simm.s32 @!p1 $0x1082;
	[sflag:s4] =	ssyncset.s32 $0xFFFFF086  }
0x25: {  	[simem:s6], [sflag:s4] =	dma.local [hbm:s3], $0xF7A  }
0x26: {  	[smem:$0x3F9F] =	sst s1;
	(tag) =	ssettag s2;
	_ =	strace s9  }
0x27: {  	s1 =	sld [smem:$0x3FAF]  }
0x28: {  	s2 =	sld [smem:$0x3FB0]  }
0x29: {  	s4 =	sld [smem:$0x3FB2]  }
0x2a: {  	p0 =	seq.s32 s5, $0x0;
	s5 =	sld [smem:$0x3FB3]  }
0x2b: {  	s6 =	sld [smem:$0x3FB4]  }
0x2c: {  	s7 =	sld [smem:$0x3FB5]  }
0x2d: {  	s3 =	simm.s32 $0x108;
	s8 =	sld [smem:$0x3FB6]  }
0x2e: {  	s3 =	simm.s32 @!p0 $0x1082;
	s9 =	sld [smem:$0x3FB7]  }
0x2f: {  	lr =	sadd.s32 s0, s3;
	s0 =	sld [smem:$0x3FAE]  }
0x30: {  	s3 =	sld [smem:$0x3FB1]  }
0x31: {  	[smem:$0x3FBA] =	sst s10  }
0x32: {  	s10 =	sld [smem:$0x3FB8];
	_ =	sdelay $0x3  }
0x33: {  	p0 =	seq.s32 s10, $0x1;
	s10 =	sld [smem:$0x3FBA];
	_ =	sdelay $0x3  }
0x34: {  	[smem:$0x3FBA] =	sst s10  }
0x35: {  	s10 =	sld [smem:$0x3FB9];
	_ =	sdelay $0x3  }
0x36: {  	p1 =	seq.s32 s10, $0x1;
	s10 =	sld [smem:$0x3FBA];
	_ =	sdelay $0x3  }
0x37: {  	[smem:$0x3FBA] =	sst s10  }
0x38: {  	s10 =	sld [smem:$0x3FBB]  }
0x39: {  	_ = 	snop;
	(pc) =	sbr.ind lr, $3  }
0x3a: {  	_ = 	snop  }
0x3b: {  	_ = 	snop  }
0x3c: {  	p2 =	seq.s32 s10, $0x1;
	s10 =	sld [smem:$0x3FBA]  }
0x3d: {  	_ =	shalt  }
0x3e: {  	_ =	shalt  }
0x3f: {  	_ =	shalt  }
0x40: {  	_ =	shalt  }
0x41: {  	_ =	shalt  }
0x42: {  	_ =	shalt  }
0x43: {  	_ =	shalt  }
0x44: {  	_ =	shalt  }
0x45: {  	_ =	shalt  }
0x46: {  	_ =	shalt  }
0x47: {  	_ =	shalt  }
0x48: {  	_ =	shalt  }
0x49: {  	_ =	shalt  }
0x4a: {  	_ =	shalt  }
0x4b: {  	_ =	shalt  }
0x4c: {  	_ =	shalt  }
0x4d: {  	_ =	shalt  }
0x4e: {  	_ =	shalt  }
0x4f: {  	_ =	shalt  }
0x50: {  	_ =	shalt  }
0x51: {  	_ =	shalt  }
0x52: {  	_ =	shalt  }
0x53: {  	_ =	shalt  }
0x54: {  	_ =	shalt  }
0x55: {  	_ =	shalt  }
0x56: {  	_ =	shalt  }
0x57: {  	_ =	shalt  }
0x58: {  	_ =	shalt  }
0x59: {  	_ =	shalt  }
0x5a: {  	_ =	shalt  }
0x5b: {  	_ =	shalt  }
0x5c: {  	_ =	shalt  }
0x5d: {  	_ =	shalt  }
0x5e: {  	_ =	shalt  }
0x5f: {  	_ =	shalt  }
0x60: {  	_ =	shalt  }
0x61: {  	_ =	shalt  }
0x62: {  	_ =	shalt  }
0x63: {  	_ =	shalt  }
0x64: {  	_ =	shalt  }
0x65: {  	_ =	shalt  }
0x66: {  	_ =	shalt  }
0x67: {  	_ =	shalt  }
0x68: {  	_ =	shalt  }
0x69: {  	_ =	shalt  }
0x6a: {  	_ =	shalt  }
0x6b: {  	_ =	shalt  }
0x6c: {  	_ =	shalt  }
0x6d: {  	_ =	shalt  }
0x6e: {  	_ =	shalt  }
0x6f: {  	_ =	shalt  }
0x70: {  	_ =	shalt  }
0x71: {  	_ =	shalt  }
0x72: {  	_ =	shalt  }
0x73: {  	_ =	shalt  }
0x74: {  	_ =	shalt  }
0x75: {  	_ =	shalt  }
0x76: {  	_ =	shalt  }
0x77: {  	_ =	shalt  }
0x78: {  	_ =	shalt  }
0x79: {  	_ =	shalt  }
0x7a: {  	_ =	shalt  }
0x7b: {  	_ =	shalt  }
0x7c: {  	_ =	shalt  }
0x7d: {  	_ =	shalt  }
0x7e: {  	_ =	shalt  }
0x7f: {  	_ =	shalt  }
0x80: {  	_ =	shalt  }
0x81: {  	_ =	shalt  }
0x82: {  	_ =	shalt  }
0x83: {  	_ =	shalt  }
0x84: {  	_ =	shalt  }
0x85: {  	_ =	shalt  }
0x86: {  	_ =	shalt  }
0x87: {  	_ =	shalt  }
.Lfunc_end0:
.L_simem_size_0:
called_computation.1_lowered:
.L_overlay_start_0:
0x88: {  	s2 =	sld [smem:$0x3FD9]  }
0x89: {  	s3 =	sld [smem:$0x3FFE];
	_ =	sdelay $0x1  }
0x8a: {  	s1 =	srdreg.scid  }
0x8b: {  	s0 =	sand.u32 $0x1, s1  }
0x8c: {  	s17 =	sshll.u32 s0, $0xA;
	s2 =	sadd.s32 s3, s2  }
0x8d: {  	s2 =	sadd.s32 s2, s17  }
0x8e: {  	[smem:$0x3FC6] =	sst s2  }
0x8f: {  	_ = 	snop  }
0x90: {  	s2 =	sld [smem:$0x3FC9];
	(tm) =	ssettm $0x1  }
0x91: {  	s18 =	sld [smem:$0x3FFB];
	_ =	sdelay $0x3  }
0x92: {  	_ =	strace s18  }
0x93: {  	s3 =	sld [smem:$0x3FFC];
	_ =	sdelay $0x3  }
0x94: {  	_ =	strace s3  }
0x95: {  	s3 =	sld [smem:$0x3FFD];
	_ =	sdelay $0x3  }
0x96: {  	_ =	strace s3  }
0x97: {  	_ =	strace $0x8FFFFFFF  }
0x98: {  	s19 =	sld [smem:$0x3FDB];
	_ =	sdelay $0x1  }
0x99: {  	s4 =	simm.s32 $_scs_section_size  }
0x9a: {  	s5 =	simm.s32 $_size__tile_overlayer_lowered;
	s6 =	simm.s32 $_tile_overlayer_lowered  }
0x9b: {  	s22 =	simm.s32 $0x1BFF;
	s21 =	sshll.u32 s6, $0x1;
	s3 =	sadd.s32 s4, s19  }
0x9c: {  	s7 =	simm.s32 $0x0;
	s20 =	sshll.u32 s5, $0x1;
	s5 =	sadd.s32 s21, s3  }
0x9d: {  	[timem:s7], [sflag:s22] =	dma.local [hbm:s5], s20  }
0x9e: {  	_ =	swait.ge [sflag:s22], s20  }
0x9f: {  	s4 =	ssub.s32 $0x0, s20;
	[sflag:s22] =	ssyncset.done $0x0  }
0xa0: {  	[sflag:s22] =	ssyncadd.s32 s4;
	_ =	sdelay $0x1  }
0xa1: {  	s23 =	simm.s32 $0x1B8B  }
0xa2: {  	_ =	swait.ge [sflag:s23], $0x1  }
0xa3: {  	[sflag:s23] =	ssyncset.done $0x0  }
0xa4: {  	s25 =	simm.s32 $0x1B8E;
	s24 =	sld [smem:$0x3FFE];
	[sflag:s23] =	ssyncadd.s32 $0xFFFFFFFF  }
0xa5: {  	s26 =	simm.s32 $execute0_lowered;
	[smem:$0x3FD2] =	sst s25  }
0xa6: {  	s5 =	sshll.u32 s26, $0x1;
	_ =	strace $0x80000046;
	[dreg:$0x1] =	wrdreg $0xFFFFFFFF  }
0xa7: {  	s28 =	simm.s32 $_size_execute0_lowered;
	s3 =	sadd.s32 s3, s5;
	[dreg:$0x0] =	wrdreg $0x0  }
0xa8: {  	s5 =	sshll.u32 s28, $0x1;
	[dreg:$0x2] =	wrdreg s3  }
0xa9: {  	[dreg:$0x3] =	wrdreg s5  }
0xaa: {  	[dreg:$0x4] =	wrdreg $0xC0  }
0xab: {  	_ =	task [dreg:s7], $0x5FFFF  }
0xac: {  	[dreg:$0x1] =	wrdreg $0xFFFFFFFF  }
0xad: {  	[dreg:$0x0] =	wrdreg $0x60  }
0xae: {  	[dreg:$0x2] =	wrdreg s2  }
0xaf: {  	[dreg:$0x3] =	wrdreg s24  }
0xb0: {  	[dreg:$0x4] =	wrdreg $0x9  }
0xb1: {  	_ =	task.clear_ibuf [dreg:s7], $0x5FFFF;
	_ =	strace $0x90000046  }
0xb2: {  	s29 =	simm.s32 $0x9;
	_ =	strace $0x80000048  }
0xb3: {  	_ =	swait.ge [sflag:s29], $0x1  }
0xb4: {  	[sflag:s29] =	ssyncadd.s32 $0xFFFFFFFF  }
0xb5: {  	_ =	strace $0x90000048  }
0xb6: {  	_ =	sfence  }
0xb7: {  	s30 =	sld [smem:$0x0];
	_ =	sdelay $0x2  }
0xb8: {  	s31 =	sshll.u32 s1, $0xD;
	s1 =	sshrl.u32 s1, $0x2  }
0xb9: {  	s3 =	sand.u32 $0x4000, s31;
	s1 =	sadd.s32 s1, s30  }
0xba: {  	s0 =	sor.u32 s3, s0;
	s1 =	sshll.u32 s1, $0x11  }
0xbb: {  	s0 =	sor.u32 s1, s0  }
0xbc: {  	s0 =	sadd.s32 $0x8F2B, s0  }
0xbd: {  	[sflag:s0] =	ssyncadd.remote.s32 $0x1  }
0xbe: {  	_ =	sfence.sel $0xFFFF  }
0xbf: {  	[dreg:$0x0] =	wrdreg $0xFFFFFFFF;
	(pc) =	sbr.abs _section_cstart, $3  }
0xc0: {  	[dreg:$0x1] =	wrdreg $0xFFFFFFFF  }
0xc1: {  	_ =	task.clear_ibuf [dreg:s7], $0x2FFFF;
	_ =	strace $0x9FFFFFFF  }
0xc2: {  	(tm) =	ssettm $0x7FFFFFFF  }
0xc3: {  	_ =	shalt  }
tec
execute0_lowered:
.L_overlay_start_1:
0x0: {  	(tag) =	ssettag $0x1  }
0x1: {  	s3 =	srdreg.scid  }
0x2: {  	s8 =	stileid.u32;
	s5 =	sand.u32 $0x1, s3  }
0x3: {  	s0 =	rddreg [dreg:$0x0];
	s4 =	sshll.u32 s8, $0x8;
	s6 =	sshll.u32 s5, $0x7  }
0x4: {  	s1 =	rddreg [dreg:$0x1];
	s2 =	simm.s32 $0x0;
	s6 =	sor.u32 s6, s4  }
0x5: {  	[smem:$0x7FF] =	sst s2;
	s9 =	sadd.s32 s0, s6  }
0x6: {  	_ =	strace $0x80000047;
	s21 =	sadd.s32 $0x1000, s9;
	[dreg:$0x3] =	wrdreg s9  }
0x7: {  	s22 =	sadd.s32 $0x2000, s9;
	[dreg:$0x4] =	wrdreg s21  }
0x8: {  	s28 =	simm.s32 $0x6400;
	s23 =	sadd.s32 $0x3000, s9;
	[dreg:$0x5] =	wrdreg s22  }
0x9: {  	s29 =	simm.s32 $0xA400;
	s24 =	sadd.s32 $0x4000, s9;
	[dreg:$0x6] =	wrdreg s23  }
0xa: {  	s7 =	ssub.s32 $0x2, s5;
	s25 =	sadd.s32 $0x5000, s9;
	[dreg:$0x7] =	wrdreg s24  }
0xb: {  	s19 =	sshrl.u32 s7, $0x1;
	s26 =	sadd.s32 $0x6000, s9;
	[dreg:$0x8] =	wrdreg s25  }
0xc: {  	s20 =	ssub.s32 s7, s19;
	s7 =	sadd.s32 $0x7000, s9;
	[dreg:$0x9] =	wrdreg s26  }
0xd: {  	s30 =	simm.s32 $0xE400;
	s10 =	sadd.s32 $0x8000, s9;
	[dreg:$0xa] =	wrdreg s7  }
0xe: {  	s31 =	simm.s32 $0x12400;
	s11 =	sadd.s32 $0x9000, s9;
	[dreg:$0xb] =	wrdreg s10  }
0xf: {  	s3 =	sadd.s32 $0xF42C00, s1;
	s13 =	sadd.s32 $0xA000, s9;
	[dreg:$0xc] =	wrdreg s11  }
0x10: {  	s12 =	sshll.u32 s8, $0xF;
	s14 =	sadd.s32 $0xB000, s9;
	[dreg:$0xd] =	wrdreg s13  }
0x11: {  	s5 =	sshll.u32 s5, $0xE;
	s15 =	sadd.s32 $0xC000, s9;
	[dreg:$0xe] =	wrdreg s14  }
0x12: {  	s4 =	sadd.s32 $0x800, s1;
	s0 =	smax.u32 s20, $0x1;
	[dreg:$0xf] =	wrdreg s15  }
0x13: {  	s16 =	sshll.u32 s6, $0x4;
	s6 =	sadd.s32 $0xD000, s9;
	[dreg:$0x11] =	wrdreg s0  }
0x14: {  	s1 =	sor.u32 s5, s12;
	s8 =	sadd.s32 $0xE000, s9;
	[dreg:$0x18] =	wrdreg s6  }
0x15: {  	s17 =	sor.u32 $0x280000, s1;
	s12 =	sadd.s32 $0x11000, s9;
	[dreg:$0x19] =	wrdreg s8  }
0x16: {  	s18 =	sshrl.u32 s17, $0x3;
	s17 =	sadd.s32 $0x16000, s9;
	[dreg:$0x1c] =	wrdreg s12  }
0x17: {  	s19 =	sor.u32 $0x200000, s1;
	s20 =	sadd.s32 s18, s4;
	[smem:$0x7F4] =	sst s17  }
0x18: {  	s7 =	sadd.s32 s4, s16;
	s10 =	sadd.s32 $0xF000, s9;
	[dreg:$0x12] =	wrdreg s20  }
0x19: {  	s21 =	sshrl.u32 s19, $0x3;
	s11 =	sadd.s32 $0x10000, s9;
	[dreg:$0x1a] =	wrdreg s10  }
0x1a: {  	s22 =	sor.u32 $0x180000, s1;
	s13 =	sadd.s32 $0x12000, s9;
	[dreg:$0x1b] =	wrdreg s11  }
0x1b: {  	s23 =	sor.u32 $0x400000, s1;
	s14 =	sadd.s32 $0x13000, s9;
	[dreg:$0x1d] =	wrdreg s13  }
0x1c: {  	s24 =	sor.u32 $0x380000, s1;
	s15 =	sadd.s32 $0x14000, s9;
	[dreg:$0x1e] =	wrdreg s14  }
0x1d: {  	s16 =	sadd.s32 $0x15000, s9;
	s18 =	sadd.s32 $0x17000, s9;
	[dreg:$0x1f] =	wrdreg s15  }
0x1e: {  	s19 =	sadd.s32 $0x18000, s9;
	s6 =	simm.s32 $0x2;
	[smem:$0x7F3] =	sst s16  }
0x1f: {  	s8 =	simm.s32 $0x4;
	s9 =	simm.s32 $0x5;
	[smem:$0x7F5] =	sst s18  }
0x20: {  	s12 =	simm.s32 $0x9;
	s17 =	simm.s32 $0xD;
	[smem:$0x7F6] =	sst s19  }
0x21: {  	s0 =	sadd.s32 s21, s4;
	s5 =	sshrl.u32 s23, $0x3;
	[dreg:$0x10] =	wrdreg s7  }
0x22: {  	s26 =	sshrl.u32 s24, $0x3;
	s20 =	sadd.s32 $0x10000, s7;
	[dreg:$0x13] =	wrdreg s0  }
0x23: {  	s21 =	sadd.s32 $0x20000, s7;
	s23 =	sadd.s32 $0xC40000, s7;
	[smem:$0x7F7] =	sst s20  }
0x24: {  	s24 =	sadd.s32 $0xC50000, s7;
	s10 =	simm.s32 $0x8;
	[smem:$0x7F8] =	sst s21  }
0x25: {  	s11 =	simm.s32 $0x6;
	s13 =	simm.s32 $0x7;
	[smem:$0x7FA] =	sst s23  }
0x26: {  	s14 =	simm.s32 $0xA;
	s25 =	sadd.s32 s5, s4;
	[smem:$0x7FB] =	sst s24  }
0x27: {  	s15 =	simm.s32 $0xB;
	s5 =	sor.u32 $0x300000, s1;
	[dreg:$0x15] =	wrdreg s25  }
0x28: {  	s0 =	sshrl.u32 s22, $0x3;
	s22 =	sadd.s32 $0xC30000, s7;
	[dreg:$0x17] =	wrdreg s5  }
0x29: {  	s16 =	simm.s32 $0xC;
	s0 =	sadd.s32 s0, s4;
	[smem:$0x7F9] =	sst s22  }
0x2a: {  	s18 =	simm.s32 $0x0;
	s25 =	sadd.s32 $0xC60000, s7;
	[dreg:$0x14] =	wrdreg s0  }
0x2b: {  	s1 =	simm.s32 $0x1A400;
	s0 =	sadd.s32 s26, s4;
	[smem:$0x7FC] =	sst s25  }
0x2c: {  	s26 =	sadd.s32 $0xC70000, s7;
	s7 =	simm.s32 $0x3;
	[dreg:$0x16] =	wrdreg s0  }
0x2d: {  	[smem:$0x7FD] =	sst s26;
	s26 =	simm.s32 $0x80;
	s0 =	simm.s32 $0x16400  }
.LBB2_1:
0x2e: {  	[smem:$0x7F2] =	sst s18  }
0x2f: {  	s5 =	rddreg [dreg:$0x3]  }
0x30: {  	s18 =	rddreg [dreg:$0x4]  }
0x31: {  	[tilespmem:s2], [sflag:$0x1] =	stream.linear.gather [hbm4b:s5+s2], $0x400, $0x38;
	[tilespmem:$0x1E400] =	vst v63  }
0x32: {  	s19 =	simm.s32 $0x400;
	s20 =	rddreg [dreg:$0x5]  }
0x33: {  	[tilespmem:s19], [sflag:$0x1] =	stream.linear.gather [hbm4b:s18+s2], $0x400, $0x38;
	[tilespmem:$0x1E400] =	vst v63  }
0x34: {  	s21 =	simm.s32 $0x800;
	s22 =	rddreg [dreg:$0x6]  }
0x35: {  	[tilespmem:s21], [sflag:$0x1] =	stream.linear.gather [hbm4b:s20+s2], $0x400, $0x38;
	[tilespmem:$0x1E400] =	vst v63  }
0x36: {  	s23 =	simm.s32 $0xC00;
	s24 =	rddreg [dreg:$0x7]  }
0x37: {  	[tilespmem:s23], [sflag:$0x1] =	stream.linear.gather [hbm4b:s22+s2], $0x400, $0x38;
	[tilespmem:$0x1E400] =	vst v63  }
0x38: {  	s25 =	simm.s32 $0x1000;
	s18 =	rddreg [dreg:$0x8]  }
0x39: {  	[tilespmem:s25], [sflag:$0x1] =	stream.linear.gather [hbm4b:s24+s2], $0x400, $0x38;
	[tilespmem:$0x1E400] =	vst v63  }
0x3a: {  	s19 =	simm.s32 $0x1400;
	s20 =	rddreg [dreg:$0x9]  }
0x3b: {  	[tilespmem:s19], [sflag:$0x1] =	stream.linear.gather [hbm4b:s18+s2], $0x400, $0x38;
	[tilespmem:$0x1E400] =	vst v63  }
0x3c: {  	s21 =	simm.s32 $0x1800;
	s22 =	rddreg [dreg:$0xa]  }
0x3d: {  	[tilespmem:s21], [sflag:$0x1] =	stream.linear.gather [hbm4b:s20+s2], $0x400, $0x38;
	[tilespmem:$0x1E400] =	vst v63  }
0x3e: {  	s23 =	simm.s32 $0x1C00;
	s24 =	rddreg [dreg:$0xb]  }
0x3f: {  	[tilespmem:s23], [sflag:$0x1] =	stream.linear.gather [hbm4b:s22+s2], $0x400, $0x38;
	[tilespmem:$0x1E400] =	vst v63  }
0x40: {  	s25 =	simm.s32 $0x2000;
	s18 =	rddreg [dreg:$0xc]  }
0x41: {  	[tilespmem:s25], [sflag:$0x1] =	stream.linear.gather [hbm4b:s24+s2], $0x400, $0x38;
	[tilespmem:$0x1E400] =	vst v63  }
0x42: {  	s19 =	simm.s32 $0x2400;
	s20 =	rddreg [dreg:$0xd]  }
0x43: {  	[tilespmem:s19], [sflag:$0x1] =	stream.linear.gather [hbm4b:s18+s2], $0x400, $0x38;
	[tilespmem:$0x1E400] =	vst v63  }
0x44: {  	s21 =	simm.s32 $0x2800;
	s22 =	rddreg [dreg:$0xe]  }
0x45: {  	[tilespmem:s21], [sflag:$0x1] =	stream.linear.gather [hbm4b:s20+s2], $0x400, $0x38;
	[tilespmem:$0x1E400] =	vst v63  }
0x46: {  	s23 =	simm.s32 $0x2C00;
	s24 =	rddreg [dreg:$0xf]  }
0x47: {  	[tilespmem:s23], [sflag:$0x1] =	stream.linear.gather [hbm4b:s22+s2], $0x400, $0x38;
	[tilespmem:$0x1E400] =	vst v63  }
0x48: {  	s25 =	simm.s32 $0x3000;
	s18 =	rddreg [dreg:$0x18]  }
0x49: {  	[tilespmem:s25], [sflag:$0x1] =	stream.linear.gather [hbm4b:s24+s2], $0x400, $0x38;
	[tilespmem:$0x1E400] =	vst v63  }
0x4a: {  	s19 =	simm.s32 $0x3400;
	s20 =	rddreg [dreg:$0x19]  }
0x4b: {  	[tilespmem:s19], [sflag:$0x1] =	stream.linear.gather [hbm4b:s18+s2], $0x400, $0x38;
	[tilespmem:$0x1E400] =	vst v63  }
0x4c: {  	s21 =	simm.s32 $0x3800;
	s22 =	rddreg [dreg:$0x1a]  }
0x4d: {  	[tilespmem:s21], [sflag:$0x1] =	stream.linear.gather [hbm4b:s20+s2], $0x400, $0x38;
	[tilespmem:$0x1E400] =	vst v63  }
0x4e: {  	s23 =	simm.s32 $0x3C00;
	s24 =	rddreg [dreg:$0x1b]  }
0x4f: {  	[tilespmem:s23], [sflag:$0x1] =	stream.linear.gather [hbm4b:s22+s2], $0x400, $0x38;
	[tilespmem:$0x1E400] =	vst v63  }
0x50: {  	s25 =	simm.s32 $0x4000;
	s18 =	rddreg [dreg:$0x1c]  }
0x51: {  	[tilespmem:s25], [sflag:$0x1] =	stream.linear.gather [hbm4b:s24+s2], $0x400, $0x38;
	[tilespmem:$0x1E400] =	vst v63  }
0x52: {  	s19 =	simm.s32 $0x4400;
	s20 =	rddreg [dreg:$0x1d]  }
0x53: {  	[tilespmem:s19], [sflag:$0x1] =	stream.linear.gather [hbm4b:s18+s2], $0x400, $0x38;
	[tilespmem:$0x1E400] =	vst v63  }
0x54: {  	s21 =	simm.s32 $0x4800;
	s22 =	rddreg [dreg:$0x1e]  }
0x55: {  	[tilespmem:s21], [sflag:$0x1] =	stream.linear.gather [hbm4b:s20+s2], $0x400, $0x38;
	[tilespmem:$0x1E400] =	vst v63  }
0x56: {  	s23 =	simm.s32 $0x4C00;
	s24 =	rddreg [dreg:$0x1f]  }
0x57: {  	[tilespmem:s23], [sflag:$0x1] =	stream.linear.gather [hbm4b:s22+s2], $0x400, $0x38;
	[tilespmem:$0x1E400] =	vst v63  }
0x58: {  	s25 =	simm.s32 $0x5000;
	s18 =	sld [smem:$0x7F3]  }
0x59: {  	[tilespmem:s25], [sflag:$0x1] =	stream.linear.gather [hbm4b:s24+s2], $0x400, $0x38;
	[tilespmem:$0x1E400] =	vst v63  }
0x5a: {  	s19 =	simm.s32 $0x5400;
	s20 =	sld [smem:$0x7F4]  }
0x5b: {  	[tilespmem:s19], [sflag:$0x1] =	stream.linear.gather [hbm4b:s18+s2], $0x400, $0x38;
	[tilespmem:$0x1E400] =	vst v63  }
0x5c: {  	s21 =	simm.s32 $0x5800;
	s22 =	sld [smem:$0x7F5]  }
0x5d: {  	[tilespmem:s21], [sflag:$0x1] =	stream.linear.gather [hbm4b:s20+s2], $0x400, $0x38;
	[tilespmem:$0x1E400] =	vst v63  }
0x5e: {  	s23 =	simm.s32 $0x5C00;
	s24 =	sld [smem:$0x7F6]  }
0x5f: {  	[tilespmem:s23], [sflag:$0x1] =	stream.linear.gather [hbm4b:s22+s2], $0x400, $0x38;
	[tilespmem:$0x1E400] =	vst v63  }
0x60: {  	s25 =	simm.s32 $0x6000;
	s19 =	simm.s32 $0x1  }
0x61: {  	[tilespmem:s25], [sflag:$0x1] =	stream.linear.gather [hbm4b:s24+s2], $0x400, $0x38;
	[tilespmem:$0x1E400] =	vst v63  }
0x62: {  	_ =	swait.ge [sflag:s19], $0x400  }
0x63: {  	[sflag:s19] =	ssyncset.done $0x0  }
0x64: {  	[sflag:s19] =	ssyncadd.s32 $0xFFFFFC00  }
0x65: {  	_ =	swait.ge [sflag:s19], $0x400  }
0x66: {  	[sflag:s19] =	ssyncset.done $0x0  }
0x67: {  	[sflag:s19] =	ssyncadd.s32 $0xFFFFFC00  }
0x68: {  	_ =	swait.ge [sflag:s19], $0x400  }
0x69: {  	[sflag:s19] =	ssyncset.done $0x0  }
0x6a: {  	[sflag:s19] =	ssyncadd.s32 $0xFFFFFC00  }
0x6b: {  	_ =	swait.ge [sflag:s19], $0x400  }
0x6c: {  	[sflag:s19] =	ssyncset.done $0x0  }
0x6d: {  	[sflag:s19] =	ssyncadd.s32 $0xFFFFFC00  }
0x6e: {  	_ =	swait.ge [sflag:s19], $0x400  }
0x6f: {  	[sflag:s19] =	ssyncset.done $0x0  }
0x70: {  	[sflag:s19] =	ssyncadd.s32 $0xFFFFFC00  }
0x71: {  	_ =	swait.ge [sflag:s19], $0x400  }
0x72: {  	[sflag:s19] =	ssyncset.done $0x0  }
0x73: {  	[sflag:s19] =	ssyncadd.s32 $0xFFFFFC00  }
0x74: {  	_ =	swait.ge [sflag:s19], $0x400  }
0x75: {  	[sflag:s19] =	ssyncset.done $0x0  }
0x76: {  	[sflag:s19] =	ssyncadd.s32 $0xFFFFFC00  }
0x77: {  	_ =	swait.ge [sflag:s19], $0x400  }
0x78: {  	[sflag:s19] =	ssyncset.done $0x0  }
0x79: {  	[sflag:s19] =	ssyncadd.s32 $0xFFFFFC00  }
0x7a: {  	_ =	swait.ge [sflag:s19], $0x400  }
0x7b: {  	[sflag:s19] =	ssyncset.done $0x0  }
0x7c: {  	[sflag:s19] =	ssyncadd.s32 $0xFFFFFC00  }
0x7d: {  	_ =	swait.ge [sflag:s19], $0x400  }
0x7e: {  	[sflag:s19] =	ssyncset.done $0x0  }
0x7f: {  	[sflag:s19] =	ssyncadd.s32 $0xFFFFFC00  }
0x80: {  	_ =	swait.ge [sflag:s19], $0x400  }
0x81: {  	[sflag:s19] =	ssyncset.done $0x0  }
0x82: {  	[sflag:s19] =	ssyncadd.s32 $0xFFFFFC00  }
0x83: {  	_ =	swait.ge [sflag:s19], $0x400  }
0x84: {  	[sflag:s19] =	ssyncset.done $0x0  }
0x85: {  	[sflag:s19] =	ssyncadd.s32 $0xFFFFFC00  }
0x86: {  	_ =	swait.ge [sflag:s19], $0x400  }
0x87: {  	[sflag:s19] =	ssyncset.done $0x0  }
0x88: {  	[sflag:s19] =	ssyncadd.s32 $0xFFFFFC00  }
0x89: {  	_ =	swait.ge [sflag:s19], $0x400  }
0x8a: {  	[sflag:s19] =	ssyncset.done $0x0  }
0x8b: {  	[sflag:s19] =	ssyncadd.s32 $0xFFFFFC00  }
0x8c: {  	_ =	swait.ge [sflag:s19], $0x400  }
0x8d: {  	[sflag:s19] =	ssyncset.done $0x0  }
0x8e: {  	[sflag:s19] =	ssyncadd.s32 $0xFFFFFC00  }
0x8f: {  	_ =	swait.ge [sflag:s19], $0x400  }
0x90: {  	[sflag:s19] =	ssyncset.done $0x0  }
0x91: {  	[sflag:s19] =	ssyncadd.s32 $0xFFFFFC00  }
0x92: {  	_ =	swait.ge [sflag:s19], $0x400  }
0x93: {  	[sflag:s19] =	ssyncset.done $0x0  }
0x94: {  	[sflag:s19] =	ssyncadd.s32 $0xFFFFFC00  }
0x95: {  	_ =	swait.ge [sflag:s19], $0x400  }
0x96: {  	[sflag:s19] =	ssyncset.done $0x0  }
0x97: {  	[sflag:s19] =	ssyncadd.s32 $0xFFFFFC00  }
0x98: {  	_ =	swait.ge [sflag:s19], $0x400  }
0x99: {  	[sflag:s19] =	ssyncset.done $0x0  }
0x9a: {  	[sflag:s19] =	ssyncadd.s32 $0xFFFFFC00  }
0x9b: {  	_ =	swait.ge [sflag:s19], $0x400  }
0x9c: {  	[sflag:s19] =	ssyncset.done $0x0  }
0x9d: {  	[sflag:s19] =	ssyncadd.s32 $0xFFFFFC00  }
0x9e: {  	_ =	swait.ge [sflag:s19], $0x400  }
0x9f: {  	[sflag:s19] =	ssyncset.done $0x0  }
0xa0: {  	[sflag:s19] =	ssyncadd.s32 $0xFFFFFC00  }
0xa1: {  	_ =	swait.ge [sflag:s19], $0x400  }
0xa2: {  	[sflag:s19] =	ssyncset.done $0x0  }
0xa3: {  	[sflag:s19] =	ssyncadd.s32 $0xFFFFFC00  }
0xa4: {  	_ =	swait.ge [sflag:s19], $0x400  }
0xa5: {  	[sflag:s19] =	ssyncset.done $0x0  }
0xa6: {  	[sflag:s19] =	ssyncadd.s32 $0xFFFFFC00  }
0xa7: {  	_ =	swait.ge [sflag:s19], $0x400  }
0xa8: {  	[sflag:s19] =	ssyncset.done $0x0  }
0xa9: {  	[sflag:s19] =	ssyncadd.s32 $0xFFFFFC00  }
0xaa: {  	_ =	swait.ge [sflag:s19], $0x400  }
0xab: {  	[sflag:s19] =	ssyncset.done $0x0  }
0xac: {  	[sflag:s19] =	ssyncadd.s32 $0xFFFFFC00  }
0xad: {  	[tilespmem:s28], [sflag:$0x2] =	stream.indirect.gather [hbm4b:s3+s26], $0x80, s2, s26, $0xb8;
	[tilespmem:$0x1E400] =	vst v63  }
0xae: {  	_ = 	snop  }
0xaf: {  	[tilespmem:s29], [sflag:$0x3] =	stream.indirect.gather [hbm4b:s3+s26], $0x80, s26, s26, $0xb8;
	[tilespmem:$0x1E400] =	vst v63  }
0xb0: {  	s20 =	simm.s32 $0x100  }
0xb1: {  	[tilespmem:s30], [sflag:$0x4] =	stream.indirect.gather [hbm4b:s3+s26], $0x80, s20, s26, $0xb8;
	[tilespmem:$0x1E400] =	vst v63  }
0xb2: {  	s21 =	simm.s32 $0x180  }
0xb3: {  	[tilespmem:s31], [sflag:$0x5] =	stream.indirect.gather [hbm4b:s3+s26], $0x80, s21, s26, $0xb8;
	[tilespmem:$0x1E400] =	vst v63  }
0xb4: {  	s22 =	simm.s32 $0x200  }
0xb5: {  	[tilespmem:s0], [sflag:$0x6] =	stream.indirect.gather [hbm4b:s3+s26], $0x80, s22, s26, $0xb8;
	[tilespmem:$0x1E400] =	vst v63  }
0xb6: {  	s23 =	simm.s32 $0x280  }
0xb7: {  	[tilespmem:s1], [sflag:$0x7] =	stream.indirect.gather [hbm4b:s3+s26], $0x80, s23, s26, $0xb8;
	[tilespmem:$0x1E400] =	vst v63  }
0xb8: {  	_ =	swait.ge [sflag:s6], $0x4000  }
0xb9: {  	[sflag:s6] =	ssyncset.done $0x0  }
0xba: {  	s24 =	rddreg [dreg:$0x10];
	[sflag:s6] =	ssyncadd.s32 $0xFFFFC000  }
0xbb: {  	[hbm4b:s24+s2] =	stream.linear.scatter [tilespmem:s28], [sflag:$0x8], $0x4000, $0x38;
	[tilespmem:$0x1E400] =	vst v63  }
0xbc: {  	_ =	swait.ge [sflag:s7], $0x4000  }
0xbd: {  	s25 =	sld [smem:$0x7F7]  }
0xbe: {  	[sflag:s7] =	ssyncset.done $0x0  }
0xbf: {  	[sflag:s7] =	ssyncadd.s32 $0xFFFFC000  }
0xc0: {  	[hbm4b:s25+s2] =	stream.linear.scatter [tilespmem:s29], [sflag:$0x9], $0x4000, $0x38;
	[tilespmem:$0x1E400] =	vst v63  }
0xc1: {  	_ =	swait.ge [sflag:s8], $0x4000  }
0xc2: {  	s18 =	sld [smem:$0x7F8]  }
0xc3: {  	[sflag:s8] =	ssyncset.done $0x0  }
0xc4: {  	[sflag:s8] =	ssyncadd.s32 $0xFFFFC000  }
0xc5: {  	[hbm4b:s18+s2] =	stream.linear.scatter [tilespmem:s30], [sflag:$0xA], $0x4000, $0x38;
	[tilespmem:$0x1E400] =	vst v63  }
0xc6: {  	_ =	swait.ge [sflag:s9], $0x4000  }
0xc7: {  	[sflag:s9] =	ssyncset.done $0x0  }
0xc8: {  	s24 =	rddreg [dreg:$0x14];
	[sflag:s9] =	ssyncadd.s32 $0xFFFFC000  }
0xc9: {  	[hbm4b:s24+s2] =	stream.linear.scatter [tilespmem:s31], [sflag:$0xB], $0x4000, $0x38;
	[tilespmem:$0x1E400] =	vst v63  }
0xca: {  	_ =	swait.ge [sflag:s10], $0x4000  }
0xcb: {  	[sflag:s10] =	ssyncset.done $0x0  }
0xcc: {  	s19 =	simm.s32 $0x300;
	[sflag:s10] =	ssyncadd.s32 $0xFFFFC000  }
0xcd: {  	[tilespmem:s28], [sflag:$0x2] =	stream.indirect.gather [hbm4b:s3+s26], $0x80, s19, s26, $0xb8;
	[tilespmem:$0x1E400] =	vst v63  }
0xce: {  	_ =	swait.ge [sflag:s11], $0x4000  }
0xcf: {  	[sflag:s11] =	ssyncset.done $0x0  }
0xd0: {  	s18 =	rddreg [dreg:$0x13];
	[sflag:s11] =	ssyncadd.s32 $0xFFFFC000  }
0xd1: {  	[hbm4b:s18+s2] =	stream.linear.scatter [tilespmem:s0], [sflag:$0xC], $0x4000, $0x38;
	[tilespmem:$0x1E400] =	vst v63  }
0xd2: {  	_ =	swait.ge [sflag:s12], $0x4000  }
0xd3: {  	[sflag:s12] =	ssyncset.done $0x0  }
0xd4: {  	s20 =	simm.s32 $0x380;
	[sflag:s12] =	ssyncadd.s32 $0xFFFFC000  }
0xd5: {  	[tilespmem:s29], [sflag:$0x3] =	stream.indirect.gather [hbm4b:s3+s26], $0x80, s20, s26, $0xb8;
	[tilespmem:$0x1E400] =	vst v63  }
0xd6: {  	_ =	swait.ge [sflag:s13], $0x4000  }
0xd7: {  	[sflag:s13] =	ssyncset.done $0x0  }
0xd8: {  	s19 =	rddreg [dreg:$0x12];
	[sflag:s13] =	ssyncadd.s32 $0xFFFFC000  }
0xd9: {  	[hbm4b:s19+s2] =	stream.linear.scatter [tilespmem:s1], [sflag:$0xD], $0x4000, $0x38;
	[tilespmem:$0x1E400] =	vst v63  }
0xda: {  	_ =	swait.ge [sflag:s14], $0x4000  }
0xdb: {  	[sflag:s14] =	ssyncset.done $0x0  }
0xdc: {  	s21 =	simm.s32 $0x400;
	[sflag:s14] =	ssyncadd.s32 $0xFFFFC000  }
0xdd: {  	[tilespmem:s30], [sflag:$0x4] =	stream.indirect.gather [hbm4b:s3+s26], $0x80, s21, s26, $0xb8;
	[tilespmem:$0x1E400] =	vst v63  }
0xde: {  	_ =	swait.ge [sflag:s6], $0x4000  }
0xdf: {  	s20 =	rddreg [dreg:$0x17]  }
0xe0: {  	[sflag:s6] =	ssyncset.done $0x0;
	s22 =	sshrl.u32 s20, $0x3  }
0xe1: {  	[sflag:s6] =	ssyncadd.s32 $0xFFFFC000;
	s5 =	sadd.s32 s4, s22  }
0xe2: {  	[hbm4b:s5+s2] =	stream.linear.scatter [tilespmem:s28], [sflag:$0x8], $0x4000, $0x38;
	[tilespmem:$0x1E400] =	vst v63  }
0xe3: {  	_ =	swait.ge [sflag:s15], $0x4000  }
0xe4: {  	[sflag:s15] =	ssyncset.done $0x0  }
0xe5: {  	s23 =	simm.s32 $0x480;
	[sflag:s15] =	ssyncadd.s32 $0xFFFFC000  }
0xe6: {  	[tilespmem:s31], [sflag:$0x5] =	stream.indirect.gather [hbm4b:s3+s26], $0x80, s23, s26, $0xb8;
	[tilespmem:$0x1E400] =	vst v63  }
0xe7: {  	_ =	swait.ge [sflag:s7], $0x4000  }
0xe8: {  	[sflag:s7] =	ssyncset.done $0x0  }
0xe9: {  	s22 =	rddreg [dreg:$0x16];
	[sflag:s7] =	ssyncadd.s32 $0xFFFFC000  }
0xea: {  	[hbm4b:s22+s2] =	stream.linear.scatter [tilespmem:s29], [sflag:$0x9], $0x4000, $0x38;
	[tilespmem:$0x1E400] =	vst v63  }
0xeb: {  	_ =	swait.ge [sflag:s16], $0x4000  }
0xec: {  	[sflag:s16] =	ssyncset.done $0x0  }
0xed: {  	s25 =	simm.s32 $0x500;
	[sflag:s16] =	ssyncadd.s32 $0xFFFFC000  }
0xee: {  	[tilespmem:s0], [sflag:$0x6] =	stream.indirect.gather [hbm4b:s3+s26], $0x80, s25, s26, $0xb8;
	[tilespmem:$0x1E400] =	vst v63  }
0xef: {  	_ =	swait.ge [sflag:s8], $0x4000  }
0xf0: {  	s24 =	sadd.s32 $0x60000, s24;
	[sflag:s8] =	ssyncset.done $0x0  }
0xf1: {  	s20 =	sadd.s32 $0x300000, s20;
	s21 =	rddreg [dreg:$0x15];
	[sflag:s8] =	ssyncadd.s32 $0xFFFFC000  }
0xf2: {  	[hbm4b:s21+s2] =	stream.linear.scatter [tilespmem:s30], [sflag:$0xA], $0x4000, $0x38;
	[tilespmem:$0x1E400] =	vst v63  }
0xf3: {  	s5 =	simm.s32 $0xC00;
	s23 =	sadd.s32 $0x60000, s18;
	_ =	swait.ge [sflag:s17], $0x4000  }
0xf4: {  	s18 =	simm.s32 $0x580;
	s22 =	sadd.s32 $0x60000, s22;
	[sflag:s17] =	ssyncset.done $0x0  }
0xf5: {  	s25 =	sadd.s32 $0x60000, s19;
	s21 =	sadd.s32 $0x60000, s21;
	[sflag:s17] =	ssyncadd.s32 $0xFFFFC000  }
.LBB2_2:
0xf6: {  	[tilespmem:s1], [sflag:$0x7] =	stream.indirect.gather [hbm4b:s3+s26], $0x80, s18, s26, $0xb8;
	[tilespmem:$0x1E400] =	vst v63  }
0xf7: {  	s18 =	smov.u32 s5  }
0xf8: {  	p0 =	sne.s32 s5, $0x17400;
	s5 =	sadd.s32 $0xC00, s5;
	_ =	swait.ge [sflag:s9], $0x4000  }
0xf9: {  	[sflag:s9] =	ssyncset.done $0x0  }
0xfa: {  	[sflag:s9] =	ssyncadd.s32 $0xFFFFC000  }
0xfb: {  	[hbm4b:s24+s2] =	stream.linear.scatter [tilespmem:s31], [sflag:$0xB], $0x4000, $0x38;
	[tilespmem:$0x1E400] =	vst v63  }
0xfc: {  	_ =	swait.ge [sflag:s10], $0x4000  }
0xfd: {  	s18 =	sshra.s32 s18, $0x2;
	[sflag:s10] =	ssyncset.done $0x0  }
0xfe: {  	s19 =	sadd.s32 $0x300, s18;
	[sflag:s10] =	ssyncadd.s32 $0xFFFFC000  }
0xff: {  	[tilespmem:s28], [sflag:$0x2] =	stream.indirect.gather [hbm4b:s3+s26], $0x80, s19, s26, $0xb8;
	[tilespmem:$0x1E400] =	vst v63  }
0x100: {  	_ =	swait.ge [sflag:s11], $0x4000  }
0x101: {  	[sflag:s11] =	ssyncset.done $0x0  }
0x102: {  	[sflag:s11] =	ssyncadd.s32 $0xFFFFC000  }
0x103: {  	[hbm4b:s23+s2] =	stream.linear.scatter [tilespmem:s0], [sflag:$0xC], $0x4000, $0x38;
	[tilespmem:$0x1E400] =	vst v63  }
0x104: {  	_ =	swait.ge [sflag:s12], $0x4000  }
0x105: {  	[sflag:s12] =	ssyncset.done $0x0  }
0x106: {  	s19 =	sadd.s32 $0x380, s18;
	[sflag:s12] =	ssyncadd.s32 $0xFFFFC000  }
0x107: {  	[tilespmem:s29], [sflag:$0x3] =	stream.indirect.gather [hbm4b:s3+s26], $0x80, s19, s26, $0xb8;
	[tilespmem:$0x1E400] =	vst v63  }
0x108: {  	_ =	swait.ge [sflag:s13], $0x4000  }
0x109: {  	[sflag:s13] =	ssyncset.done $0x0  }
0x10a: {  	[sflag:s13] =	ssyncadd.s32 $0xFFFFC000  }
0x10b: {  	[hbm4b:s25+s2] =	stream.linear.scatter [tilespmem:s1], [sflag:$0xD], $0x4000, $0x38;
	[tilespmem:$0x1E400] =	vst v63  }
0x10c: {  	_ =	swait.ge [sflag:s14], $0x4000  }
0x10d: {  	[sflag:s14] =	ssyncset.done $0x0  }
0x10e: {  	s19 =	sadd.s32 $0x400, s18;
	[sflag:s14] =	ssyncadd.s32 $0xFFFFC000  }
0x10f: {  	[tilespmem:s30], [sflag:$0x4] =	stream.indirect.gather [hbm4b:s3+s26], $0x80, s19, s26, $0xb8;
	[tilespmem:$0x1E400] =	vst v63  }
0x110: {  	_ =	swait.ge [sflag:s6], $0x4000  }
0x111: {  	s19 =	sshrl.u32 s20, $0x3;
	[sflag:s6] =	ssyncset.done $0x0  }
0x112: {  	s19 =	sadd.s32 s4, s19;
	[sflag:s6] =	ssyncadd.s32 $0xFFFFC000  }
0x113: {  	[hbm4b:s19+s2] =	stream.linear.scatter [tilespmem:s28], [sflag:$0x8], $0x4000, $0x38;
	[tilespmem:$0x1E400] =	vst v63  }
0x114: {  	_ =	swait.ge [sflag:s15], $0x4000  }
0x115: {  	[sflag:s15] =	ssyncset.done $0x0  }
0x116: {  	s19 =	sadd.s32 $0x480, s18;
	[sflag:s15] =	ssyncadd.s32 $0xFFFFC000  }
0x117: {  	[tilespmem:s31], [sflag:$0x5] =	stream.indirect.gather [hbm4b:s3+s26], $0x80, s19, s26, $0xb8;
	[tilespmem:$0x1E400] =	vst v63  }
0x118: {  	_ =	swait.ge [sflag:s7], $0x4000  }
0x119: {  	[sflag:s7] =	ssyncset.done $0x0  }
0x11a: {  	[sflag:s7] =	ssyncadd.s32 $0xFFFFC000  }
0x11b: {  	[hbm4b:s22+s2] =	stream.linear.scatter [tilespmem:s29], [sflag:$0x9], $0x4000, $0x38;
	[tilespmem:$0x1E400] =	vst v63  }
0x11c: {  	_ =	swait.ge [sflag:s16], $0x4000  }
0x11d: {  	[sflag:s16] =	ssyncset.done $0x0  }
0x11e: {  	s19 =	sadd.s32 $0x500, s18;
	[sflag:s16] =	ssyncadd.s32 $0xFFFFC000  }
0x11f: {  	[tilespmem:s0], [sflag:$0x6] =	stream.indirect.gather [hbm4b:s3+s26], $0x80, s19, s26, $0xb8;
	[tilespmem:$0x1E400] =	vst v63  }
0x120: {  	_ =	swait.ge [sflag:s8], $0x4000  }
0x121: {  	[sflag:s8] =	ssyncset.done $0x0  }
.Ltmp0:
0x122: {  	s20 =	sadd.s32 $0x300000, s20;
	[sflag:s8] =	ssyncadd.s32 $0xFFFFC000;
	(pc) =	sbr.rel @p0 .LBB2_2-.Ltmp0, $4  }
0x123: {  	[hbm4b:s21+s2] =	stream.linear.scatter [tilespmem:s30], [sflag:$0xA], $0x4000, $0x38;
	[tilespmem:$0x1E400] =	vst v63  }
0x124: {  	s22 =	sadd.s32 $0x60000, s22;
	s21 =	sadd.s32 $0x60000, s21;
	_ =	swait.ge [sflag:s17], $0x4000  }
0x125: {  	s24 =	sadd.s32 $0x60000, s24;
	s23 =	sadd.s32 $0x60000, s23;
	[sflag:s17] =	ssyncset.done $0x0  }
0x126: {  	s25 =	sadd.s32 $0x60000, s25;
	s18 =	sadd.s32 $0x580, s18;
	[sflag:s17] =	ssyncadd.s32 $0xFFFFC000  }
0x127: {  	[tilespmem:s1], [sflag:$0x7] =	stream.indirect.gather [hbm4b:s3+s26], $0x80, s18, s26, $0xb8;
	[tilespmem:$0x1E400] =	vst v63  }
0x128: {  	_ =	swait.ge [sflag:s9], $0x4000  }
0x129: {  	s5 =	sld [smem:$0x7F9]  }
0x12a: {  	[sflag:s9] =	ssyncset.done $0x0  }
0x12b: {  	[sflag:s9] =	ssyncadd.s32 $0xFFFFC000  }
0x12c: {  	[hbm4b:s5+s2] =	stream.linear.scatter [tilespmem:s31], [sflag:$0xB], $0x4000, $0x38;
	[tilespmem:$0x1E400] =	vst v63  }
0x12d: {  	_ =	swait.ge [sflag:s10], $0x4000  }
0x12e: {  	[sflag:s10] =	ssyncset.done $0x0  }
0x12f: {  	s18 =	simm.s32 $0x6300;
	[sflag:s10] =	ssyncadd.s32 $0xFFFFC000  }
0x130: {  	[tilespmem:s28], [sflag:$0x2] =	stream.indirect.gather [hbm4b:s3+s26], $0x80, s18, s26, $0xb8;
	[tilespmem:$0x1E400] =	vst v63  }
0x131: {  	_ =	swait.ge [sflag:s11], $0x4000  }
0x132: {  	s19 =	sld [smem:$0x7FA]  }
0x133: {  	[sflag:s11] =	ssyncset.done $0x0  }
0x134: {  	[sflag:s11] =	ssyncadd.s32 $0xFFFFC000  }
0x135: {  	[hbm4b:s19+s2] =	stream.linear.scatter [tilespmem:s0], [sflag:$0xC], $0x4000, $0x38;
	[tilespmem:$0x1E400] =	vst v63  }
0x136: {  	_ =	swait.ge [sflag:s12], $0x4000  }
0x137: {  	[sflag:s12] =	ssyncset.done $0x0  }
0x138: {  	s20 =	simm.s32 $0x6380;
	[sflag:s12] =	ssyncadd.s32 $0xFFFFC000  }
0x139: {  	[tilespmem:s29], [sflag:$0x3] =	stream.indirect.gather [hbm4b:s3+s26], $0x80, s20, s26, $0xb8;
	[tilespmem:$0x1E400] =	vst v63  }
0x13a: {  	_ =	swait.ge [sflag:s13], $0x4000  }
0x13b: {  	s21 =	sld [smem:$0x7FB]  }
0x13c: {  	[sflag:s13] =	ssyncset.done $0x0  }
0x13d: {  	[sflag:s13] =	ssyncadd.s32 $0xFFFFC000  }
0x13e: {  	[hbm4b:s21+s2] =	stream.linear.scatter [tilespmem:s1], [sflag:$0xD], $0x4000, $0x38;
	[tilespmem:$0x1E400] =	vst v63  }
0x13f: {  	_ =	swait.ge [sflag:s14], $0x4000  }
0x140: {  	[sflag:s14] =	ssyncset.done $0x0  }
0x141: {  	[sflag:s14] =	ssyncadd.s32 $0xFFFFC000  }
0x142: {  	_ =	swait.ge [sflag:s6], $0x4000  }
0x143: {  	s22 =	sld [smem:$0x7FC]  }
0x144: {  	[sflag:s6] =	ssyncset.done $0x0  }
0x145: {  	[sflag:s6] =	ssyncadd.s32 $0xFFFFC000  }
0x146: {  	[hbm4b:s22+s2] =	stream.linear.scatter [tilespmem:s28], [sflag:$0x8], $0x4000, $0x38;
	[tilespmem:$0x1E400] =	vst v63  }
0x147: {  	_ =	swait.ge [sflag:s15], $0x4000  }
0x148: {  	[sflag:s15] =	ssyncset.done $0x0  }
0x149: {  	[sflag:s15] =	ssyncadd.s32 $0xFFFFC000  }
0x14a: {  	_ =	swait.ge [sflag:s7], $0x4000  }
0x14b: {  	s23 =	sld [smem:$0x7FD]  }
0x14c: {  	[sflag:s7] =	ssyncset.done $0x0  }
0x14d: {  	[sflag:s7] =	ssyncadd.s32 $0xFFFFC000  }
0x14e: {  	[hbm4b:s23+s2] =	stream.linear.scatter [tilespmem:s29], [sflag:$0x9], $0x4000, $0x38;
	[tilespmem:$0x1E400] =	vst v63  }
0x14f: {  	_ =	swait.ge [sflag:s16], $0x4000  }
0x150: {  	[sflag:s16] =	ssyncset.done $0x0  }
0x151: {  	[sflag:s16] =	ssyncadd.s32 $0xFFFFC000  }
0x152: {  	_ =	swait.ge [sflag:s17], $0x4000  }
0x153: {  	[sflag:s17] =	ssyncset.done $0x0  }
0x154: {  	[sflag:s17] =	ssyncadd.s32 $0xFFFFC000  }
0x155: {  	_ =	swait.ge [sflag:s10], $0x4000  }
0x156: {  	[sflag:s10] =	ssyncset.done $0x0  }
0x157: {  	[sflag:s10] =	ssyncadd.s32 $0xFFFFC000  }
0x158: {  	_ =	swait.ge [sflag:s12], $0x4000  }
0x159: {  	s24 =	sld [smem:$0x7F2];
	_ =	sdelay $0x2  }
0x15a: {  	s25 =	rddreg [dreg:$0x11];
	s18 =	sadd.s32 $0x1, s24  }
0x15b: {  	p0 =	sne.s32 s18, s25  }
.Ltmp1:
0x15c: {  	_ = 	snop;
	(pc) =	sbr.rel @p0 .LBB2_1-.Ltmp1, $3  }
0x15d: {  	_ =	sdelay $0x1  }
0x15e: {  	[sflag:s12] =	ssyncset.done $0x0  }
0x15f: {  	[sflag:s12] =	ssyncadd.s32 $0xFFFFC000  }
0x160: {  	_ =	sfence.sel $0x180000  }
0x161: {  	[bflag:$0x0] =	sbarrier.arrive $0xFFFF  }
0x162: {  	_ =	strace $0x90000047  }
0x163: {  	s0 =	stileid.u32;
	[bflag:$0x2] =	sbarrier.arrive $0xFFFF  }
0x164: {  	p0 =	sne.s32 s0, $0x0;
	s0 =	rddreg [dreg:$0x2]  }
0x165: {  	s0 =	sadd.s32 @!p0 $0x100000, s0  }
0x166: {  	[sflag:s0] =	ssyncadd.tile.s32 @!p0 $0x1;
	_ =	shalt  }
.Lfunc_end2:
_tile_overlayer_lowered:
.L_overlay_start_2:
0x167: {  	(tag) =	ssettag $0x2  }
0x168: {  	s0 =	rddreg [dreg:$0x0];
	s2 =	stileid.u32  }
0x169: {  	s1 =	rddreg [dreg:$0x1];
	p0 =	sne.s32 s2, $0x0  }
0x16a: {  	s3 =	rddreg [dreg:$0x2];
	[bflag:$0x3] =	sbarrier.arrive $0xFFFF;
	s2 =	simm.s32 @!p0 $0x1C0E  }
0x16b: {  	[timem:s3], [sflag:s2] =	dma.local @!p0 [hbm:s0], s1  }
0x16c: {  	s0 =	simm.s32 @!p0 $0xE  }
0x16d: {  	_ =	swait.ge @!p0 [sflag:s0], s1  }
0x16e: {  	s1 =	ssub.s32 @!p0 $0x0, s1;
	[sflag:s0] =	ssyncset.done @!p0 $0x0  }
0x16f: {  	[sflag:s0] =	ssyncadd.s32 @!p0 s1  }
0x170: {  	[bflag:$0x3] =	sbarrier.arrive $0xFFFF  }
0x171: {  	_ =	shalt  }

// kernel: sparse-core-data-format-call.cloned.1.call-start
scs
called_computation_lowered:
.L_overlay_start_0:
0x0: {  	s2 =	sld [smem:$0x3FD9]  }
0x1: {  	s3 =	sld [smem:$0x3FFE];
	_ =	sdelay $0x1  }
0x2: {  	s1 =	srdreg.scid  }
0x3: {  	s0 =	sand.u32 $0x1, s1  }
0x4: {  	s18 =	sshll.u32 s0, $0xA;
	s2 =	sadd.s32 s3, s2  }
0x5: {  	s2 =	sadd.s32 s2, s18  }
0x6: {  	[smem:$0x3FC6] =	sst s2  }
0x7: {  	_ = 	snop  }
0x8: {  	s2 =	sld [smem:$0x3FD0];
	(tm) =	ssettm $0x1  }
0x9: {  	s19 =	sld [smem:$0x3FFB];
	_ =	sdelay $0x3  }
0xa: {  	_ =	strace s19  }
0xb: {  	s3 =	sld [smem:$0x3FFC];
	_ =	sdelay $0x3  }
0xc: {  	_ =	strace s3  }
0xd: {  	s3 =	sld [smem:$0x3FFD];
	_ =	sdelay $0x3  }
0xe: {  	_ =	strace s3  }
0xf: {  	_ =	strace $0x8FFFFFFF  }
0x10: {  	s20 =	sld [smem:$0x3FDB];
	_ =	sdelay $0x1  }
0x11: {  	s4 =	simm.s32 $_scs_section_size  }
0x12: {  	s5 =	simm.s32 $_size__tile_overlayer_lowered;
	s6 =	simm.s32 $_tile_overlayer_lowered  }
0x13: {  	s23 =	simm.s32 $0x1BFF;
	s22 =	sshll.u32 s6, $0x1;
	s3 =	sadd.s32 s4, s20  }
0x14: {  	s7 =	simm.s32 $0x0;
	s21 =	sshll.u32 s5, $0x1;
	s5 =	sadd.s32 s22, s3  }
0x15: {  	[timem:s7], [sflag:s23] =	dma.local [hbm:s5], s21  }
0x16: {  	_ =	swait.ge [sflag:s23], s21  }
0x17: {  	s4 =	ssub.s32 $0x0, s21;
	[sflag:s23] =	ssyncset.done $0x0  }
0x18: {  	[sflag:s23] =	ssyncadd.s32 s4;
	_ =	sdelay $0x1  }
0x19: {  	s24 =	simm.s32 $0x1B8B  }
0x1a: {  	_ =	swait.ge [sflag:s24], $0x1  }
0x1b: {  	[sflag:s24] =	ssyncset.done $0x0  }
0x1c: {  	s26 =	simm.s32 $0x1B8E;
	s25 =	sld [smem:$0x3FFE];
	[sflag:s24] =	ssyncadd.s32 $0xFFFFFFFF  }
0x1d: {  	s27 =	simm.s32 $execute0_lowered;
	[smem:$0x3FD2] =	sst s26  }
0x1e: {  	s5 =	sshll.u32 s27, $0x1;
	_ =	strace $0x80000049;
	[dreg:$0x1] =	wrdreg $0xFFFFFFFF  }
0x1f: {  	s28 =	simm.s32 $_size_execute0_lowered;
	s3 =	sadd.s32 s3, s5;
	[dreg:$0x0] =	wrdreg $0x0  }
0x20: {  	s5 =	sshll.u32 s28, $0x1;
	[dreg:$0x2] =	wrdreg s3  }
0x21: {  	[dreg:$0x3] =	wrdreg s5  }
0x22: {  	[dreg:$0x4] =	wrdreg $0xC0  }
0x23: {  	_ =	task [dreg:s7], $0x5FFFF  }
0x24: {  	[dreg:$0x1] =	wrdreg $0xFFFFFFFF  }
0x25: {  	[dreg:$0x0] =	wrdreg $0x60  }
0x26: {  	[dreg:$0x2] =	wrdreg s25  }
0x27: {  	[dreg:$0x3] =	wrdreg s2  }
0x28: {  	[dreg:$0x4] =	wrdreg $0x9  }
0x29: {  	_ =	task.clear_ibuf [dreg:s7], $0x5FFFF;
	_ =	strace $0x90000049  }
0x2a: {  	s29 =	simm.s32 $0x9;
	_ =	strace $0x8000004B  }
0x2b: {  	_ =	swait.ge [sflag:s29], $0x1  }
0x2c: {  	[sflag:s29] =	ssyncadd.s32 $0xFFFFFFFF  }
0x2d: {  	_ =	strace $0x9000004B  }
0x2e: {  	_ =	sfence  }
0x2f: {  	s30 =	sld [smem:$0x0];
	_ =	sdelay $0x2  }
0x30: {  	s31 =	sshll.u32 s1, $0xD;
	s1 =	sshrl.u32 s1, $0x2  }
0x31: {  	s3 =	sand.u32 $0x4000, s31;
	s1 =	sadd.s32 s1, s30  }
0x32: {  	s0 =	sor.u32 s3, s0;
	s1 =	sshll.u32 s1, $0x11  }
0x33: {  	s0 =	sor.u32 s1, s0  }
0x34: {  	s0 =	sadd.s32 $0x8F2B, s0  }
0x35: {  	[sflag:s0] =	ssyncadd.remote.s32 $0x1  }
0x36: {  	_ =	sfence.sel $0xFFFF  }
0x37: {  	[dreg:$0x0] =	wrdreg $0xFFFFFFFF;
	(pc) =	sbr.abs _section_cstart, $3  }
0x38: {  	[dreg:$0x1] =	wrdreg $0xFFFFFFFF  }
0x39: {  	_ =	task.clear_ibuf [dreg:s7], $0x2FFFF;
	_ =	strace $0x9FFFFFFF  }
0x3a: {  	(tm) =	ssettm $0x7FFFFFFF  }
0x3b: {  	_ =	shalt  }
tec
execute0_lowered:
.L_overlay_start_1:
0x0: {  	(tag) =	ssettag $0x1  }
0x1: {  	s0 =	srdreg.scid  }
0x2: {  	s1 =	sshll.u32 s0, $0x4  }
0x3: {  	s5 =	rddreg [dreg:$0x0];
	s0 =	stileid.u32;
	s1 =	sand.u32 $0x10, s1  }
0x4: {  	s3 =	rddreg [dreg:$0x1];
	s31 =	simm.s32 $0x2;
	s4 =	sor.u32 s0, s1  }
0x5: {  	s13 =	simm.s32 $0x0;
	s9 =	simm.s32 $0x400;
	s2 =	sshll.u32 s4, $0x7  }
0x6: {  	s10 =	simm.s32 $0x8000;
	s14 =	simm.s32 $0x0;
	s6 =	ssub.s32 $0x1000, s2  }
0x7: {  	s1 =	rddreg [dreg:$0x2];
	_ =	strace $0x8000004A;
	s7 =	sand.u32 $0xF80, s6  }
0x8: {  	s4 =	sshll.u32 s4, $0xB;
	p0 =	sne.s32 s7, $0x0;
	s7 =	simm.s32 $0x1  }
.Ltmp0:
0x9: {  	s6 =	sshrl.u32 s6, $0xC;
	s7 =	simm.s32 @!p0 $0x0;
	(pc) =	sbr.rel .LBB1_1-.Ltmp0, $4  }
0xa: {  	s8 =	sadd.s32 s4, s5;
	s4 =	simm.s32 $0x1;
	s30 =	sadd.s32 s7, s6  }
0xb: {  	s11 =	simm.s32 $0x0;
	[sflag:s4] =	ssyncpa.u1 $0x0;
	s5 =	smul.u32 $0x64, s30  }
0xc: {  	s12 =	simm.s32 $0x0;
	[sflag:s31] =	ssyncpa.u1 $0x0;
	p0 =	por $0x0, $0x0  }
0xd: {  	s6 =	sadd.s32 $0x800, s8;
	s7 =	sadd.s32 $0x10800, s8;
	s8 =	sor.u32 $0x1, s5  }
.LBB1_7:
0xe: {  	s15 =	sadd.s32 $0x2, s11  }
0xf: {  	p2 =	sgt.s32 s15, $0xC7  }
0x10: {  	s15 =	simm.s32 @p2 $0x0;
	p2 =	sne.s32 s12, s8  }
.Ltmp1:
0x11: {  	p1 =	slt.u32 s12, $0x2;
	(pc) =	sbr.rel @!p2 .LBB1_8-.Ltmp1, $4  }
0x12: {  	s13 =	simm.s32 @!p1 $0x2  }
0x13: {  	s16 =	sadd.s32 $0x1, s12;
	s14 =	smov.u32 s11;
	_ =	swait.ge @!p1 [sflag:s13], $0x4000  }
0x14: {  	p0 =	por !p0, !p0;
	s12 =	smov.u32 s16;
	[sflag:s13] =	ssyncset.done @!p1 $0x0  }
0x15: {  	s11 =	smov.u32 s15;
	[sflag:s13] =	ssyncadd.s32 @!p1 $0xFFFFC000;
	s13 =	smov.u32 s2  }
.LBB1_1:
0x16: {  	p1 =	sge.u32 s12, s5  }
0x17: {  	s15 =	sxor.u32 @!p1 $0xFFFFFFFF, s12  }
0x18: {  	s16 =	sshll.u32 @!p1 s11, $0x10;
	s18 =	simm.s32 @!p1 $0x40;
	s15 =	sshll.u32 @!p1 s15, $0xE  }
0x19: {  	s19 =	simm.s32 @!p1 $0x80;
	s17 =	sadd.s32 @!p1 s16, s6;
	s15 =	sand.u32 @!p1 $0x4000, s15  }
0x1a: {  	[tilespmem:s15], [sflag:$0x1] =	stream.strided.gather @!p1 [hbm4b:s17+s18], $0x2000, s19, s18, $0x38;
	[tilespmem:$0x10100] =	vst v63  }
0x1b: {  	s31 =	sadd.s32 $0xFFFFFFFF, s12;
	s16 =	sadd.s32 @!p1 s16, s7;
	s15 =	sor.u32 @!p1 $0x2000, s15  }
0x1c: {  	[tilespmem:s15], [sflag:$0x1] =	stream.strided.gather @!p1 [hbm4b:s16+s18], $0x2000, s19, s18, $0x38;
	[tilespmem:$0x10100] =	vst v63  }
0x1d: {  	p1 =	sge.u32 s31, s5  }
.Ltmp2:
0x1e: {  	_ = 	snop;
	(pc) =	sbr.rel @p1 .LBB1_7-.Ltmp2, $1  }
0x1f: {  	_ =	sdelay $0x3  }
0x20: {  	s15 =	simm.s32 $0x1;
	s17 =	sand.u32 $0x1, s12  }
0x21: {  	_ =	swait.ge [sflag:s4], $0x4000;
	s15 =	simm.s32 @!p0 $0x0;
	s17 =	smul.u32 $0x10200, s17  }
0x22: {  	p2 =	por $0x1, $0x1;
	[sflag:s4] =	ssyncset.done $0x0;
	s16 =	smul.u32 $0x10200, s15  }
0x23: {  	s18 =	sshll.u32 s15, $0x10;
	[sflag:s4] =	ssyncadd.s32 $0xFFFFC000;
	s30 =	sshrl.u32 s17, $0x2  }
0x24: {  	s31 =	sshrl.u32 s18, $0x2;
	s18 =	simm.s32 $0x0;
	s16 =	sshrl.u32 s16, $0x2  }
0x25: {  	s15 =	sor.u32 $0x8000, s30;
	s17 =	sadd.s32 $0x20, s31;
	s16 =	sor.u32 $0x8000, s16  }
.LBB1_3:
0x26: {  	s19 =	sshll.u32 s18, $0xD  }
0x27: {  	s19 =	sand.u32 $0x3FFFE000, s19  }
0x28: {  	s21 =	sadd.s32 s19, s17  }
0x29: {  	s31 =	smul.u32 $0x8100, s18;
	v3 =	vld [tilespmem:s21+$0x10]  }
0x2a: {  	v1 =	vld [tilespmem:s21+$0xFFFFFFF0]  }
0x2b: {  	s18 =	sshra.s32 s31, $0x2;
	v0 =	vld [tilespmem:s21+$0x0]  }
0x2c: {  	s18 =	sadd.s32 s18, s16;
	v2 =	vld [tilespmem:s21+$0xFFFFFFE0]  }
0x2d: {  	s19 =	sadd.s32 $0x0, s18  }
0x2e: {  	p1 =	por p2, p2;
	s20 =	simm.s32 $0x4;
	s21 =	sadd.s32 $0x40, s21;
	[tilespmem:s19+$0x1830 ss:$0x81] =	vst.msk $0xffff, v3  }
.LBB1_4:
0x2f: {  	v3 =	vld [tilespmem:s21+$0x10];
	p2 =	sne.s32 s20, $0x1FC;
	[tilespmem:s19+$0x810 ss:$0x81] =	vst.msk $0xffff, v1;
	s22 =	smov.u32 s20;
	s20 =	sadd.s32 $0x4, s20  }
.Ltmp3:
0x30: {  	v1 =	vld [tilespmem:s21+$0xFFFFFFF0];
	[tilespmem:s19+$0x1020 ss:$0x81] =	vst.msk $0xffff, v0;
	(pc) =	sbr.rel @p2 .LBB1_4-.Ltmp3, $4  }
0x31: {  	v0 =	vld [tilespmem:s21+$0x0];
	[tilespmem:s19+$0x0 ss:$0x81] =	vst.msk $0xffff, v2  }
0x32: {  	s19 =	sshra.s32 s22, $0x2;
	v2 =	vld [tilespmem:s21+$0xFFFFFFE0]  }
0x33: {  	s19 =	sadd.s32 s19, s18  }
0x34: {  	s21 =	sadd.s32 $0x40, s21;
	[tilespmem:s19+$0x1830 ss:$0x81] =	vst.msk $0xffff, v3  }
.Ltmp4:
0x35: {  	(pc) =	sbr.rel @p1 .LBB1_3-.Ltmp4, $4  }
0x36: {  	_ = 	snop  }
0x37: {  	[tilespmem:s19+$0x810 ss:$0x81] =	vst.msk $0xffff, v1  }
0x38: {  	[tilespmem:s19+$0x1020 ss:$0x81] =	vst.msk $0xffff, v0  }
0x39: {  	s18 =	simm.s32 $0x1;
	p2 =	por $0x0, $0x0;
	[tilespmem:s19+$0x0 ss:$0x81] =	vst.msk $0xffff, v2  }
.Ltmp5:
0x3a: {  	(pc) =	sbr.rel .LBB1_7-.Ltmp5, $4  }
0x3b: {  	s14 =	sshll.u32 s14, $0xF  }
0x3c: {  	s14 =	sadd.s32 s3, s14  }
0x3d: {  	s13 =	sadd.s32 s13, s14  }
0x3e: {  	[hbm4b:s13+s9] =	stream.strided.scatter [tilespmem:s15], [sflag:$0x2], $0x4000, s10, s9, $0x20;
	[tilespmem:$0x10100] =	vst v63  }
.LBB1_8:
0x3f: {  	_ =	sfence.sel $0x180000  }
0x40: {  	s2 =	simm.s32 $0x1;
	[bflag:$0x0] =	sbarrier.arrive $0xFFFF  }
0x41: {  	s31 =	simm.s32 $0x2;
	[sflag:s2] =	ssyncpa.u1 $0x1  }
0x42: {  	[sflag:s31] =	ssyncpa.u1 $0x1  }
0x43: {  	p0 =	sne.s32 s0, $0x0;
	_ =	strace $0x9000004A  }
0x44: {  	s0 =	sadd.s32 @!p0 $0x100000, s1;
	[bflag:$0x2] =	sbarrier.arrive $0xFFFF  }
0x45: {  	[sflag:s0] =	ssyncadd.tile.s32 @!p0 $0x1;
	_ =	shalt  }
.Lfunc_end1:
_tile_overlayer_lowered:
.L_overlay_start_2:
0x46: {  	(tag) =	ssettag $0x2  }
0x47: {  	s0 =	rddreg [dreg:$0x0];
	s2 =	stileid.u32  }
0x48: {  	s1 =	rddreg [dreg:$0x1];
	p0 =	sne.s32 s2, $0x0  }
0x49: {  	s3 =	rddreg [dreg:$0x2];
	[bflag:$0x3] =	sbarrier.arrive $0xFFFF;
	s2 =	simm.s32 @!p0 $0x1C01  }
0x4a: {  	[timem:s3], [sflag:s2] =	dma.local @!p0 [hbm:s0], s1  }
0x4b: {  	s0 =	simm.s32 @!p0 $0x1  }
0x4c: {  	_ =	swait.ge @!p0 [sflag:s0], s1  }
0x4d: {  	s1 =	ssub.s32 @!p0 $0x0, s1;
	[sflag:s0] =	ssyncset.done @!p0 $0x0  }
0x4e: {  	[sflag:s0] =	ssyncadd.s32 @!p0 s1  }
0x4f: {  	[bflag:$0x3] =	sbarrier.arrive $0xFFFF  }
0x50: {  	_ =	shalt  }

</sc_bundles>
